<compile_context>
chip_gen: v7x
topology: tpu7x:2x2x1
jax: 0.10.2.dev20260603
libtpu: 0.0.44.dev20260713+nightly
codegen_flags: <defaults>
</compile_context>

<pallas_src>
import functools

import jax
import jax.numpy as jnp
from jax import lax
from jax.experimental import pallas as pl
from jax.experimental.pallas import tpu as pltpu
from jax.experimental.pallas import tpu_sc as plsc

N = 128 * 128 * 128
NC = 2
NS = 16
NW = NC * NS
PER_W = N // NW
CHUNK = 16384
NCHUNK = PER_W // CHUNK
LANES = 16
UNROLL = 4

_mesh = plsc.VectorSubcoreMesh(core_axis_name="c", subcore_axis_name="s")


def _loss_partials_body(pred_hbm, targ_hbm, out_hbm,
                        p0, g0, m0, p1, g1, m1, acc_v, sem0, sem1):
    wid = lax.axis_index("s") * NC + lax.axis_index("c")
    base = wid * PER_W
    bufs = ((p0, g0, m0), (p1, g1, m1))
    sems = (sem0, sem1)

    def issue(j, slot):
        off = base + j * CHUNK
        pv, gv, mv = bufs[slot]
        return (
            pltpu.async_copy(pred_hbm.at[pl.ds(off, CHUNK)], pv, sems[slot]),
            pltpu.async_copy(targ_hbm.at[pl.ds(off, CHUNK)], gv, sems[slot]),
            pltpu.async_copy(targ_hbm.at[pl.ds(N + off, CHUNK)], mv, sems[slot]),
        )

    accs = [jnp.zeros((LANES,), jnp.float32) for _ in range(UNROLL)]
    cnts = [jnp.zeros((LANES,), jnp.float32) for _ in range(UNROLL)]

    pending = [None, None]
    pending[0] = issue(0, 0)
    for j in range(NCHUNK):
        slot = j & 1
        if j + 1 < NCHUNK:
            pending[(j + 1) & 1] = issue(j + 1, (j + 1) & 1)
        for d in pending[slot]:
            d.wait()
        pv, gv, mv = bufs[slot]

        def body(i, carry):
            a = list(carry[:UNROLL])
            c = list(carry[UNROLL:])
            for u in range(UNROLL):
                s = i * (LANES * UNROLL) + u * LANES
                p = pv[pl.ds(s, LANES)]
                g = gv[pl.ds(s, LANES)]
                m = mv[pl.ds(s, LANES)]
                sel = m > 0
                a[u] = a[u] + jnp.where(sel, jnp.abs(p - g), 0.0)
                c[u] = c[u] + jnp.where(sel, 1.0, 0.0)
            return tuple(a) + tuple(c)

        out = lax.fori_loop(0, CHUNK // (LANES * UNROLL), body,
                            tuple(accs) + tuple(cnts))
        accs = list(out[:UNROLL])
        cnts = list(out[UNROLL:])

    acc = accs[0] + accs[1] + accs[2] + accs[3]
    cnt = cnts[0] + cnts[1] + cnts[2] + cnts[3]
    acc_v[pl.ds(0, LANES)] = acc
    acc_v[pl.ds(LANES, LANES)] = cnt
    pltpu.sync_copy(acc_v, out_hbm.at[wid])


_loss_partials = functools.partial(
    pl.kernel,
    out_type=jax.ShapeDtypeStruct((NW, 2 * LANES), jnp.float32),
    mesh=_mesh,
    scratch_types=[
        pltpu.VMEM((CHUNK,), jnp.float32),
        pltpu.VMEM((CHUNK,), jnp.float32),
        pltpu.VMEM((CHUNK,), jnp.float32),
        pltpu.VMEM((CHUNK,), jnp.float32),
        pltpu.VMEM((CHUNK,), jnp.float32),
        pltpu.VMEM((CHUNK,), jnp.float32),
        pltpu.VMEM((2 * LANES,), jnp.float32),
        pltpu.SemaphoreType.DMA,
        pltpu.SemaphoreType.DMA,
    ],
)(_loss_partials_body)


@jax.jit
def kernel(predictions, targets):
    pred_flat = predictions.reshape(-1)
    targ_flat = targets.reshape(-1)
    partials = _loss_partials(pred_flat, targ_flat)
    total = jnp.sum(partials[:, :LANES])
    count = jnp.sum(partials[:, LANES:])
    return total / jnp.maximum(count, 1.0)

# --- scband reference (transcript-rebuilt; emitter-appended) ---
"""Pipeline reference for scband-loss2-29437705847424 (READ-ONLY COPY).

The authoritative reference and input builder live on the scoring server;
editing this copy changes nothing except your own understanding.
"""

import jax, jax.numpy as jnp
import numpy as np


def setup_inputs(seed: int = 0) -> dict:
    key = jax.random.key(seed)
    k1, k2 = jax.random.split(key)
    # predictions is a stack; forward uses predictions[0] as the predicted dose volume
    predictions = jax.random.normal(k1, (2, 1, 128, 128, 128), dtype=jnp.float32)
    # targets unpacks along axis 0 into (gt_dose, possible_dose_mask)
    targets = jax.random.normal(k2, (2, 1, 128, 128, 128), dtype=jnp.float32)
    return {"predictions": predictions, "targets": targets}


def reference(predictions, targets):
    predicted_dose = predictions[0]
    gt_dose = targets[0]
    possible_dose_mask = targets[1]
    # masked mean L1: equivalent to nn.L1Loss(reduction='mean') over selected voxels
    mask = (possible_dose_mask > 0).astype(jnp.float32)
    abs_err = jnp.abs(predicted_dose - gt_dose) * mask
    denom = jnp.maximum(jnp.sum(mask), 1.0)
    loss = jnp.sum(abs_err) / denom
    return loss

if __name__ == "__main__":
    import jax
    _d = setup_inputs()
    print(jax.jit(kernel)(*tuple(_d.values())))

</pallas_src>

<mosaic_0001>
#map = affine_map<(d0, d1) -> (0)>
#map1 = affine_map<(d0, d1) -> (0, 0)>
module attributes {stable_mosaic.version = 14 : i64} {
  func.func @_loss_partials_body(%arg0: i32, %arg1: i32, %arg2: memref<4194304xf32, #tpu.memory_space<hbm>>, %arg3: memref<4194304xf32, #tpu.memory_space<hbm>>, %arg4: memref<32x32xf32, #tpu.memory_space<hbm>>, %arg5: memref<16384xf32, #tpu.memory_space<vmem>>, %arg6: memref<16384xf32, #tpu.memory_space<vmem>>, %arg7: memref<16384xf32, #tpu.memory_space<vmem>>, %arg8: memref<16384xf32, #tpu.memory_space<vmem>>, %arg9: memref<16384xf32, #tpu.memory_space<vmem>>, %arg10: memref<16384xf32, #tpu.memory_space<vmem>>, %arg11: memref<32xf32, #tpu.memory_space<vmem>>, %arg12: memref<!tpu.dma_semaphore, #tpu.memory_space<semaphore_mem>>, %arg13: memref<!tpu.dma_semaphore, #tpu.memory_space<semaphore_mem>>) attributes {dimension_semantics = [#tpu.dimension_semantics<core_parallel>, #tpu.dimension_semantics<subcore_parallel>], iteration_bounds = array<i64: 2, 16>, scalar_prefetch = 0 : i64, scratch_operands = 9 : i64, tpu.core_type = #tpu.core_type<sc_vector_subcore>, window_params = [{transform_indices = #map}, {transform_indices = #map}, {transform_indices = #map1}]} {
    %mul3A = arith.constant 2 : i32
    %mul3A_0 = arith.muli %arg1, %mul3A : i32
    %add3A = arith.addi %mul3A_0, %arg0 : i32
    %mul3A_1 = arith.constant 65536 : i32
    %mul3A_2 = arith.muli %add3A, %mul3A_1 : i32
    %broadcast_in_dim3A = arith.constant 0.000000e+00 : f32
    %broadcast_in_dim3A_3 = vector.broadcast %broadcast_in_dim3A : f32 to vector<16xf32>
    %broadcast_in_dim3A_4 = arith.constant 0.000000e+00 : f32
    %broadcast_in_dim3A_5 = vector.broadcast %broadcast_in_dim3A_4 : f32 to vector<16xf32>
    %broadcast_in_dim3A_6 = arith.constant 0.000000e+00 : f32
    %broadcast_in_dim3A_7 = vector.broadcast %broadcast_in_dim3A_6 : f32 to vector<16xf32>
    %broadcast_in_dim3A_8 = arith.constant 0.000000e+00 : f32
    %broadcast_in_dim3A_9 = vector.broadcast %broadcast_in_dim3A_8 : f32 to vector<16xf32>
    %broadcast_in_dim3A_10 = arith.constant 0.000000e+00 : f32
    %broadcast_in_dim3A_11 = vector.broadcast %broadcast_in_dim3A_10 : f32 to vector<16xf32>
    %broadcast_in_dim3A_12 = arith.constant 0.000000e+00 : f32
    %broadcast_in_dim3A_13 = vector.broadcast %broadcast_in_dim3A_12 : f32 to vector<16xf32>
    %broadcast_in_dim3A_14 = arith.constant 0.000000e+00 : f32
    %broadcast_in_dim3A_15 = vector.broadcast %broadcast_in_dim3A_14 : f32 to vector<16xf32>
    %broadcast_in_dim3A_16 = arith.constant 0.000000e+00 : f32
    %broadcast_in_dim3A_17 = vector.broadcast %broadcast_in_dim3A_16 : f32 to vector<16xf32>
    %add3A_18 = arith.constant 0 : i32
    %add3A_19 = arith.addi %mul3A_2, %add3A_18 : i32
    %dma_start3A = tpu.memref_slice %arg2[%add3A_19] : memref<4194304xf32, #tpu.memory_space<hbm>> -> memref<16384xf32, #tpu.memory_space<hbm>>
    %dma_start3A_20 = tpu.memref_slice %arg2[%add3A_19] : memref<4194304xf32, #tpu.memory_space<hbm>> -> memref<16384xf32, #tpu.memory_space<hbm>>
    tpu.enqueue_dma source(%dma_start3A_20 : memref<16384xf32, #tpu.memory_space<hbm>>) target(%arg5 : memref<16384xf32, #tpu.memory_space<vmem>>) target_semaphore(%arg12 : memref<!tpu.dma_semaphore, #tpu.memory_space<semaphore_mem>>)
    %dma_start3A_21 = tpu.memref_slice %arg3[%add3A_19] : memref<4194304xf32, #tpu.memory_space<hbm>> -> memref<16384xf32, #tpu.memory_space<hbm>>
    %dma_start3A_22 = tpu.memref_slice %arg3[%add3A_19] : memref<4194304xf32, #tpu.memory_space<hbm>> -> memref<16384xf32, #tpu.memory_space<hbm>>
    tpu.enqueue_dma source(%dma_start3A_22 : memref<16384xf32, #tpu.memory_space<hbm>>) target(%arg6 : memref<16384xf32, #tpu.memory_space<vmem>>) target_semaphore(%arg12 : memref<!tpu.dma_semaphore, #tpu.memory_space<semaphore_mem>>)
    %add3A_23 = arith.constant 2097152 : i32
    %add3A_24 = arith.addi %add3A_23, %add3A_19 : i32
    %dma_start3A_25 = tpu.memref_slice %arg3[%add3A_24] : memref<4194304xf32, #tpu.memory_space<hbm>> -> memref<16384xf32, #tpu.memory_space<hbm>>
    %dma_start3A_26 = tpu.memref_slice %arg3[%add3A_24] : memref<4194304xf32, #tpu.memory_space<hbm>> -> memref<16384xf32, #tpu.memory_space<hbm>>
    tpu.enqueue_dma source(%dma_start3A_26 : memref<16384xf32, #tpu.memory_space<hbm>>) target(%arg7 : memref<16384xf32, #tpu.memory_space<vmem>>) target_semaphore(%arg12 : memref<!tpu.dma_semaphore, #tpu.memory_space<semaphore_mem>>)
    %add3A_27 = arith.constant 16384 : i32
    %add3A_28 = arith.addi %mul3A_2, %add3A_27 : i32
    %dma_start3A_29 = tpu.memref_slice %arg2[%add3A_28] : memref<4194304xf32, #tpu.memory_space<hbm>> -> memref<16384xf32, #tpu.memory_space<hbm>>
    %dma_start3A_30 = tpu.memref_slice %arg2[%add3A_28] : memref<4194304xf32, #tpu.memory_space<hbm>> -> memref<16384xf32, #tpu.memory_space<hbm>>
    tpu.enqueue_dma source(%dma_start3A_30 : memref<16384xf32, #tpu.memory_space<hbm>>) target(%arg8 : memref<16384xf32, #tpu.memory_space<vmem>>) target_semaphore(%arg13 : memref<!tpu.dma_semaphore, #tpu.memory_space<semaphore_mem>>)
    %dma_start3A_31 = tpu.memref_slice %arg3[%add3A_28] : memref<4194304xf32, #tpu.memory_space<hbm>> -> memref<16384xf32, #tpu.memory_space<hbm>>
    %dma_start3A_32 = tpu.memref_slice %arg3[%add3A_28] : memref<4194304xf32, #tpu.memory_space<hbm>> -> memref<16384xf32, #tpu.memory_space<hbm>>
    tpu.enqueue_dma source(%dma_start3A_32 : memref<16384xf32, #tpu.memory_space<hbm>>) target(%arg9 : memref<16384xf32, #tpu.memory_space<vmem>>) target_semaphore(%arg13 : memref<!tpu.dma_semaphore, #tpu.memory_space<semaphore_mem>>)
    %add3A_33 = arith.constant 2097152 : i32
    %add3A_34 = arith.addi %add3A_33, %add3A_28 : i32
    %dma_start3A_35 = tpu.memref_slice %arg3[%add3A_34] : memref<4194304xf32, #tpu.memory_space<hbm>> -> memref<16384xf32, #tpu.memory_space<hbm>>
    %dma_start3A_36 = tpu.memref_slice %arg3[%add3A_34] : memref<4194304xf32, #tpu.memory_space<hbm>> -> memref<16384xf32, #tpu.memory_space<hbm>>
    tpu.enqueue_dma source(%dma_start3A_36 : memref<16384xf32, #tpu.memory_space<hbm>>) target(%arg10 : memref<16384xf32, #tpu.memory_space<vmem>>) target_semaphore(%arg13 : memref<!tpu.dma_semaphore, #tpu.memory_space<semaphore_mem>>)
    %dma_wait3A = tpu.memref_slice %arg2[%add3A_19] : memref<4194304xf32, #tpu.memory_space<hbm>> -> memref<16384xf32, #tpu.memory_space<hbm>>
    %dma_wait3A_37 = tpu.memref_slice %arg2[%add3A_19] : memref<4194304xf32, #tpu.memory_space<hbm>> -> memref<16384xf32, #tpu.memory_space<hbm>>
    tpu.wait_dma2 semaphore(%arg12 : memref<!tpu.dma_semaphore, #tpu.memory_space<semaphore_mem>>) src(%dma_wait3A_37 : memref<16384xf32, #tpu.memory_space<hbm>>) dst(%arg5 : memref<16384xf32, #tpu.memory_space<vmem>>)
    %dma_wait3A_38 = tpu.memref_slice %arg3[%add3A_19] : memref<4194304xf32, #tpu.memory_space<hbm>> -> memref<16384xf32, #tpu.memory_space<hbm>>
    %dma_wait3A_39 = tpu.memref_slice %arg3[%add3A_19] : memref<4194304xf32, #tpu.memory_space<hbm>> -> memref<16384xf32, #tpu.memory_space<hbm>>
    tpu.wait_dma2 semaphore(%arg12 : memref<!tpu.dma_semaphore, #tpu.memory_space<semaphore_mem>>) src(%dma_wait3A_39 : memref<16384xf32, #tpu.memory_space<hbm>>) dst(%arg6 : memref<16384xf32, #tpu.memory_space<vmem>>)
    %dma_wait3A_40 = tpu.memref_slice %arg3[%add3A_24] : memref<4194304xf32, #tpu.memory_space<hbm>> -> memref<16384xf32, #tpu.memory_space<hbm>>
    %dma_wait3A_41 = tpu.memref_slice %arg3[%add3A_24] : memref<4194304xf32, #tpu.memory_space<hbm>> -> memref<16384xf32, #tpu.memory_space<hbm>>
    tpu.wait_dma2 semaphore(%arg12 : memref<!tpu.dma_semaphore, #tpu.memory_space<semaphore_mem>>) src(%dma_wait3A_41 : memref<16384xf32, #tpu.memory_space<hbm>>) dst(%arg7 : memref<16384xf32, #tpu.memory_space<vmem>>)
    %scan3A = arith.constant 0 : i32
    %scan3A_42 = arith.constant 256 : i32
    %scan3A_43 = arith.addi %scan3A, %scan3A_42 : i32
    %scan3A_44 = arith.constant 1 : i32
    %scan3A_45:8 = scf.for %scan3A_116 = %scan3A to %scan3A_43 step %scan3A_44 iter_args(%scan3A_117 = %broadcast_in_dim3A_3, %scan3A_118 = %broadcast_in_dim3A_5, %scan3A_119 = %broadcast_in_dim3A_7, %scan3A_120 = %broadcast_in_dim3A_9, %scan3A_121 = %broadcast_in_dim3A_11, %scan3A_122 = %broadcast_in_dim3A_13, %scan3A_123 = %broadcast_in_dim3A_15, %scan3A_124 = %broadcast_in_dim3A_17) -> (vector<16xf32>, vector<16xf32>, vector<16xf32>, vector<16xf32>, vector<16xf32>, vector<16xf32>, vector<16xf32>, vector<16xf32>)  : i32 {
      %mul3A_125 = arith.constant 64 : i32
      %mul3A_126 = arith.muli %scan3A_116, %mul3A_125 : i32
      %add3A_127 = arith.constant 0 : i32
      %add3A_128 = arith.addi %mul3A_126, %add3A_127 : i32
      %get3A = arith.index_cast %add3A_128 : i32 to index
      %get3A_129 = tpu.vector_load %arg5[%get3A] {strides = array<i32>} : memref<16384xf32, #tpu.memory_space<vmem>>, vector<16xf32>,
      %get3A_130 = vector.shape_cast %get3A_129 : vector<16xf32> to vector<16xf32>
      %get3A_131 = arith.index_cast %add3A_128 : i32 to index
      %get3A_132 = tpu.vector_load %arg6[%get3A_131] {strides = array<i32>} : memref<16384xf32, #tpu.memory_space<vmem>>, vector<16xf32>,
      %get3A_133 = vector.shape_cast %get3A_132 : vector<16xf32> to vector<16xf32>
      %get3A_134 = arith.index_cast %add3A_128 : i32 to index
      %get3A_135 = tpu.vector_load %arg7[%get3A_134] {strides = array<i32>} : memref<16384xf32, #tpu.memory_space<vmem>>, vector<16xf32>,
      %get3A_136 = vector.shape_cast %get3A_135 : vector<16xf32> to vector<16xf32>
      %gt3A = arith.constant 0.000000e+00 : f32
      %gt3A_137 = vector.broadcast %gt3A : f32 to vector<16xf32>
      %gt3A_138 = arith.cmpf ogt, %get3A_136, %gt3A_137 : vector<16xf32>
      %sub3A = arith.subf %get3A_130, %get3A_133 : vector<16xf32>
      %abs3A = math.absf %sub3A : vector<16xf32>
      %jit3A = arith.constant 0.000000e+00 : f32
      %broadcast_in_dim3A_139 = vector.broadcast %jit3A : f32 to vector<16xf32>
      %select_n3A = arith.select %gt3A_138, %abs3A, %broadcast_in_dim3A_139 : vector<16xi1>, vector<16xf32>
      %add3A_140 = arith.addf %scan3A_117, %select_n3A : vector<16xf32>
      %jit3A_141 = arith.constant 1.000000e+00 : f32
      %jit3A_142 = arith.constant 0.000000e+00 : f32
      %broadcast_in_dim3A_143 = vector.broadcast %jit3A_141 : f32 to vector<16xf32>
      %broadcast_in_dim3A_144 = vector.broadcast %jit3A_142 : f32 to vector<16xf32>
      %select_n3A_145 = arith.select %gt3A_138, %broadcast_in_dim3A_143, %broadcast_in_dim3A_144 : vector<16xi1>, vector<16xf32>
      %add3A_146 = arith.addf %scan3A_121, %select_n3A_145 : vector<16xf32>
      %mul3A_147 = arith.constant 64 : i32
      %mul3A_148 = arith.muli %scan3A_116, %mul3A_147 : i32
      %add3A_149 = arith.constant 16 : i32
      %add3A_150 = arith.addi %mul3A_148, %add3A_149 : i32
      %get3A_151 = arith.index_cast %add3A_150 : i32 to index
      %get3A_152 = tpu.vector_load %arg5[%get3A_151] {strides = array<i32>} : memref<16384xf32, #tpu.memory_space<vmem>>, vector<16xf32>,
      %get3A_153 = vector.shape_cast %get3A_152 : vector<16xf32> to vector<16xf32>
      %get3A_154 = arith.index_cast %add3A_150 : i32 to index
      %get3A_155 = tpu.vector_load %arg6[%get3A_154] {strides = array<i32>} : memref<16384xf32, #tpu.memory_space<vmem>>, vector<16xf32>,
      %get3A_156 = vector.shape_cast %get3A_155 : vector<16xf32> to vector<16xf32>
      %get3A_157 = arith.index_cast %add3A_150 : i32 to index
      %get3A_158 = tpu.vector_load %arg7[%get3A_157] {strides = array<i32>} : memref<16384xf32, #tpu.memory_space<vmem>>, vector<16xf32>,
      %get3A_159 = vector.shape_cast %get3A_158 : vector<16xf32> to vector<16xf32>
      %gt3A_160 = arith.constant 0.000000e+00 : f32
      %gt3A_161 = vector.broadcast %gt3A_160 : f32 to vector<16xf32>
      %gt3A_162 = arith.cmpf ogt, %get3A_159, %gt3A_161 : vector<16xf32>
      %sub3A_163 = arith.subf %get3A_153, %get3A_156 : vector<16xf32>
      %abs3A_164 = math.absf %sub3A_163 : vector<16xf32>
      %jit3A_165 = arith.constant 0.000000e+00 : f32
      %broadcast_in_dim3A_166 = vector.broadcast %jit3A_165 : f32 to vector<16xf32>
      %select_n3A_167 = arith.select %gt3A_162, %abs3A_164, %broadcast_in_dim3A_166 : vector<16xi1>, vector<16xf32>
      %add3A_168 = arith.addf %scan3A_118, %select_n3A_167 : vector<16xf32>
      %jit3A_169 = arith.constant 1.000000e+00 : f32
      %jit3A_170 = arith.constant 0.000000e+00 : f32
      %broadcast_in_dim3A_171 = vector.broadcast %jit3A_169 : f32 to vector<16xf32>
      %broadcast_in_dim3A_172 = vector.broadcast %jit3A_170 : f32 to vector<16xf32>
      %select_n3A_173 = arith.select %gt3A_162, %broadcast_in_dim3A_171, %broadcast_in_dim3A_172 : vector<16xi1>, vector<16xf32>
      %add3A_174 = arith.addf %scan3A_122, %select_n3A_173 : vector<16xf32>
      %mul3A_175 = arith.constant 64 : i32
      %mul3A_176 = arith.muli %scan3A_116, %mul3A_175 : i32
      %add3A_177 = arith.constant 32 : i32
      %add3A_178 = arith.addi %mul3A_176, %add3A_177 : i32
      %get3A_179 = arith.index_cast %add3A_178 : i32 to index
      %get3A_180 = tpu.vector_load %arg5[%get3A_179] {strides = array<i32>} : memref<16384xf32, #tpu.memory_space<vmem>>, vector<16xf32>,
      %get3A_181 = vector.shape_cast %get3A_180 : vector<16xf32> to vector<16xf32>
      %get3A_182 = arith.index_cast %add3A_178 : i32 to index
      %get3A_183 = tpu.vector_load %arg6[%get3A_182] {strides = array<i32>} : memref<16384xf32, #tpu.memory_space<vmem>>, vector<16xf32>,
      %get3A_184 = vector.shape_cast %get3A_183 : vector<16xf32> to vector<16xf32>
      %get3A_185 = arith.index_cast %add3A_178 : i32 to index
      %get3A_186 = tpu.vector_load %arg7[%get3A_185] {strides = array<i32>} : memref<16384xf32, #tpu.memory_space<vmem>>, vector<16xf32>,
      %get3A_187 = vector.shape_cast %get3A_186 : vector<16xf32> to vector<16xf32>
      %gt3A_188 = arith.constant 0.000000e+00 : f32
      %gt3A_189 = vector.broadcast %gt3A_188 : f32 to vector<16xf32>
      %gt3A_190 = arith.cmpf ogt, %get3A_187, %gt3A_189 : vector<16xf32>
      %sub3A_191 = arith.subf %get3A_181, %get3A_184 : vector<16xf32>
      %abs3A_192 = math.absf %sub3A_191 : vector<16xf32>
      %jit3A_193 = arith.constant 0.000000e+00 : f32
      %broadcast_in_dim3A_194 = vector.broadcast %jit3A_193 : f32 to vector<16xf32>
      %select_n3A_195 = arith.select %gt3A_190, %abs3A_192, %broadcast_in_dim3A_194 : vector<16xi1>, vector<16xf32>
      %add3A_196 = arith.addf %scan3A_119, %select_n3A_195 : vector<16xf32>
      %jit3A_197 = arith.constant 1.000000e+00 : f32
      %jit3A_198 = arith.constant 0.000000e+00 : f32
      %broadcast_in_dim3A_199 = vector.broadcast %jit3A_197 : f32 to vector<16xf32>
      %broadcast_in_dim3A_200 = vector.broadcast %jit3A_198 : f32 to vector<16xf32>
      %select_n3A_201 = arith.select %gt3A_190, %broadcast_in_dim3A_199, %broadcast_in_dim3A_200 : vector<16xi1>, vector<16xf32>
      %add3A_202 = arith.addf %scan3A_123, %select_n3A_201 : vector<16xf32>
      %mul3A_203 = arith.constant 64 : i32
      %mul3A_204 = arith.muli %scan3A_116, %mul3A_203 : i32
      %add3A_205 = arith.constant 48 : i32
      %add3A_206 = arith.addi %mul3A_204, %add3A_205 : i32
      %get3A_207 = arith.index_cast %add3A_206 : i32 to index
      %get3A_208 = tpu.vector_load %arg5[%get3A_207] {strides = array<i32>} : memref<16384xf32, #tpu.memory_space<vmem>>, vector<16xf32>,
      %get3A_209 = vector.shape_cast %get3A_208 : vector<16xf32> to vector<16xf32>
      %get3A_210 = arith.index_cast %add3A_206 : i32 to index
      %get3A_211 = tpu.vector_load %arg6[%get3A_210] {strides = array<i32>} : memref<16384xf32, #tpu.memory_space<vmem>>, vector<16xf32>,
      %get3A_212 = vector.shape_cast %get3A_211 : vector<16xf32> to vector<16xf32>
      %get3A_213 = arith.index_cast %add3A_206 : i32 to index
      %get3A_214 = tpu.vector_load %arg7[%get3A_213] {strides = array<i32>} : memref<16384xf32, #tpu.memory_space<vmem>>, vector<16xf32>,
      %get3A_215 = vector.shape_cast %get3A_214 : vector<16xf32> to vector<16xf32>
      %gt3A_216 = arith.constant 0.000000e+00 : f32
      %gt3A_217 = vector.broadcast %gt3A_216 : f32 to vector<16xf32>
      %gt3A_218 = arith.cmpf ogt, %get3A_215, %gt3A_217 : vector<16xf32>
      %sub3A_219 = arith.subf %get3A_209, %get3A_212 : vector<16xf32>
      %abs3A_220 = math.absf %sub3A_219 : vector<16xf32>
      %jit3A_221 = arith.constant 0.000000e+00 : f32
      %broadcast_in_dim3A_222 = vector.broadcast %jit3A_221 : f32 to vector<16xf32>
      %select_n3A_223 = arith.select %gt3A_218, %abs3A_220, %broadcast_in_dim3A_222 : vector<16xi1>, vector<16xf32>
      %add3A_224 = arith.addf %scan3A_120, %select_n3A_223 : vector<16xf32>
      %jit3A_225 = arith.constant 1.000000e+00 : f32
      %jit3A_226 = arith.constant 0.000000e+00 : f32
      %broadcast_in_dim3A_227 = vector.broadcast %jit3A_225 : f32 to vector<16xf32>
      %broadcast_in_dim3A_228 = vector.broadcast %jit3A_226 : f32 to vector<16xf32>
      %select_n3A_229 = arith.select %gt3A_218, %broadcast_in_dim3A_227, %broadcast_in_dim3A_228 : vector<16xi1>, vector<16xf32>
      %add3A_230 = arith.addf %scan3A_124, %select_n3A_229 : vector<16xf32>
      scf.yield %add3A_140, %add3A_168, %add3A_196, %add3A_224, %add3A_146, %add3A_174, %add3A_202, %add3A_230 : vector<16xf32>, vector<16xf32>, vector<16xf32>, vector<16xf32>, vector<16xf32>, vector<16xf32>, vector<16xf32>, vector<16xf32>
    }
    %scan3A_46 = arith.constant 256 : i32
    %add3A_47 = arith.constant 32768 : i32
    %add3A_48 = arith.addi %mul3A_2, %add3A_47 : i32
    %dma_start3A_49 = tpu.memref_slice %arg2[%add3A_48] : memref<4194304xf32, #tpu.memory_space<hbm>> -> memref<16384xf32, #tpu.memory_space<hbm>>
    %dma_start3A_50 = tpu.memref_slice %arg2[%add3A_48] : memref<4194304xf32, #tpu.memory_space<hbm>> -> memref<16384xf32, #tpu.memory_space<hbm>>
    tpu.enqueue_dma source(%dma_start3A_50 : memref<16384xf32, #tpu.memory_space<hbm>>) target(%arg5 : memref<16384xf32, #tpu.memory_space<vmem>>) target_semaphore(%arg12 : memref<!tpu.dma_semaphore, #tpu.memory_space<semaphore_mem>>)
    %dma_start3A_51 = tpu.memref_slice %arg3[%add3A_48] : memref<4194304xf32, #tpu.memory_space<hbm>> -> memref<16384xf32, #tpu.memory_space<hbm>>
    %dma_start3A_52 = tpu.memref_slice %arg3[%add3A_48] : memref<4194304xf32, #tpu.memory_space<hbm>> -> memref<16384xf32, #tpu.memory_space<hbm>>
    tpu.enqueue_dma source(%dma_start3A_52 : memref<16384xf32, #tpu.memory_space<hbm>>) target(%arg6 : memref<16384xf32, #tpu.memory_space<vmem>>) target_semaphore(%arg12 : memref<!tpu.dma_semaphore, #tpu.memory_space<semaphore_mem>>)
    %add3A_53 = arith.constant 2097152 : i32
    %add3A_54 = arith.addi %add3A_53, %add3A_48 : i32
    %dma_start3A_55 = tpu.memref_slice %arg3[%add3A_54] : memref<4194304xf32, #tpu.memory_space<hbm>> -> memref<16384xf32, #tpu.memory_space<hbm>>
    %dma_start3A_56 = tpu.memref_slice %arg3[%add3A_54] : memref<4194304xf32, #tpu.memory_space<hbm>> -> memref<16384xf32, #tpu.memory_space<hbm>>
    tpu.enqueue_dma source(%dma_start3A_56 : memref<16384xf32, #tpu.memory_space<hbm>>) target(%arg7 : memref<16384xf32, #tpu.memory_space<vmem>>) target_semaphore(%arg12 : memref<!tpu.dma_semaphore, #tpu.memory_space<semaphore_mem>>)
    %dma_wait3A_57 = tpu.memref_slice %arg2[%add3A_28] : memref<4194304xf32, #tpu.memory_space<hbm>> -> memref<16384xf32, #tpu.memory_space<hbm>>
    %dma_wait3A_58 = tpu.memref_slice %arg2[%add3A_28] : memref<4194304xf32, #tpu.memory_space<hbm>> -> memref<16384xf32, #tpu.memory_space<hbm>>
    tpu.wait_dma2 semaphore(%arg13 : memref<!tpu.dma_semaphore, #tpu.memory_space<semaphore_mem>>) src(%dma_wait3A_58 : memref<16384xf32, #tpu.memory_space<hbm>>) dst(%arg8 : memref<16384xf32, #tpu.memory_space<vmem>>)
    %dma_wait3A_59 = tpu.memref_slice %arg3[%add3A_28] : memref<4194304xf32, #tpu.memory_space<hbm>> -> memref<16384xf32, #tpu.memory_space<hbm>>
    %dma_wait3A_60 = tpu.memref_slice %arg3[%add3A_28] : memref<4194304xf32, #tpu.memory_space<hbm>> -> memref<16384xf32, #tpu.memory_space<hbm>>
    tpu.wait_dma2 semaphore(%arg13 : memref<!tpu.dma_semaphore, #tpu.memory_space<semaphore_mem>>) src(%dma_wait3A_60 : memref<16384xf32, #tpu.memory_space<hbm>>) dst(%arg9 : memref<16384xf32, #tpu.memory_space<vmem>>)
    %dma_wait3A_61 = tpu.memref_slice %arg3[%add3A_34] : memref<4194304xf32, #tpu.memory_space<hbm>> -> memref<16384xf32, #tpu.memory_space<hbm>>
    %dma_wait3A_62 = tpu.memref_slice %arg3[%add3A_34] : memref<4194304xf32, #tpu.memory_space<hbm>> -> memref<16384xf32, #tpu.memory_space<hbm>>
    tpu.wait_dma2 semaphore(%arg13 : memref<!tpu.dma_semaphore, #tpu.memory_space<semaphore_mem>>) src(%dma_wait3A_62 : memref<16384xf32, #tpu.memory_space<hbm>>) dst(%arg10 : memref<16384xf32, #tpu.memory_space<vmem>>)
    %scan3A_63 = arith.constant 0 : i32
    %scan3A_64 = arith.constant 256 : i32
    %scan3A_65 = arith.addi %scan3A_63, %scan3A_64 : i32
    %scan3A_66 = arith.constant 1 : i32
    %scan3A_67:8 = scf.for %scan3A_116 = %scan3A_63 to %scan3A_65 step %scan3A_66 iter_args(%scan3A_117 = %scan3A_45#0, %scan3A_118 = %scan3A_45#1, %scan3A_119 = %scan3A_45#2, %scan3A_120 = %scan3A_45#3, %scan3A_121 = %scan3A_45#4, %scan3A_122 = %scan3A_45#5, %scan3A_123 = %scan3A_45#6, %scan3A_124 = %scan3A_45#7) -> (vector<16xf32>, vector<16xf32>, vector<16xf32>, vector<16xf32>, vector<16xf32>, vector<16xf32>, vector<16xf32>, vector<16xf32>)  : i32 {
      %mul3A_125 = arith.constant 64 : i32
      %mul3A_126 = arith.muli %scan3A_116, %mul3A_125 : i32
      %add3A_127 = arith.constant 0 : i32
      %add3A_128 = arith.addi %mul3A_126, %add3A_127 : i32
      %get3A = arith.index_cast %add3A_128 : i32 to index
      %get3A_129 = tpu.vector_load %arg8[%get3A] {strides = array<i32>} : memref<16384xf32, #tpu.memory_space<vmem>>, vector<16xf32>,
      %get3A_130 = vector.shape_cast %get3A_129 : vector<16xf32> to vector<16xf32>
      %get3A_131 = arith.index_cast %add3A_128 : i32 to index
      %get3A_132 = tpu.vector_load %arg9[%get3A_131] {strides = array<i32>} : memref<16384xf32, #tpu.memory_space<vmem>>, vector<16xf32>,
      %get3A_133 = vector.shape_cast %get3A_132 : vector<16xf32> to vector<16xf32>
      %get3A_134 = arith.index_cast %add3A_128 : i32 to index
      %get3A_135 = tpu.vector_load %arg10[%get3A_134] {strides = array<i32>} : memref<16384xf32, #tpu.memory_space<vmem>>, vector<16xf32>,
      %get3A_136 = vector.shape_cast %get3A_135 : vector<16xf32> to vector<16xf32>
      %gt3A = arith.constant 0.000000e+00 : f32
      %gt3A_137 = vector.broadcast %gt3A : f32 to vector<16xf32>
      %gt3A_138 = arith.cmpf ogt, %get3A_136, %gt3A_137 : vector<16xf32>
      %sub3A = arith.subf %get3A_130, %get3A_133 : vector<16xf32>
      %abs3A = math.absf %sub3A : vector<16xf32>
      %jit3A = arith.constant 0.000000e+00 : f32
      %broadcast_in_dim3A_139 = vector.broadcast %jit3A : f32 to vector<16xf32>
      %select_n3A = arith.select %gt3A_138, %abs3A, %broadcast_in_dim3A_139 : vector<16xi1>, vector<16xf32>
      %add3A_140 = arith.addf %scan3A_117, %select_n3A : vector<16xf32>
      %jit3A_141 = arith.constant 1.000000e+00 : f32
      %jit3A_142 = arith.constant 0.000000e+00 : f32
      %broadcast_in_dim3A_143 = vector.broadcast %jit3A_141 : f32 to vector<16xf32>
      %broadcast_in_dim3A_144 = vector.broadcast %jit3A_142 : f32 to vector<16xf32>
      %select_n3A_145 = arith.select %gt3A_138, %broadcast_in_dim3A_143, %broadcast_in_dim3A_144 : vector<16xi1>, vector<16xf32>
      %add3A_146 = arith.addf %scan3A_121, %select_n3A_145 : vector<16xf32>
      %mul3A_147 = arith.constant 64 : i32
      %mul3A_148 = arith.muli %scan3A_116, %mul3A_147 : i32
      %add3A_149 = arith.constant 16 : i32
      %add3A_150 = arith.addi %mul3A_148, %add3A_149 : i32
      %get3A_151 = arith.index_cast %add3A_150 : i32 to index
      %get3A_152 = tpu.vector_load %arg8[%get3A_151] {strides = array<i32>} : memref<16384xf32, #tpu.memory_space<vmem>>, vector<16xf32>,
      %get3A_153 = vector.shape_cast %get3A_152 : vector<16xf32> to vector<16xf32>
      %get3A_154 = arith.index_cast %add3A_150 : i32 to index
      %get3A_155 = tpu.vector_load %arg9[%get3A_154] {strides = array<i32>} : memref<16384xf32, #tpu.memory_space<vmem>>, vector<16xf32>,
      %get3A_156 = vector.shape_cast %get3A_155 : vector<16xf32> to vector<16xf32>
      %get3A_157 = arith.index_cast %add3A_150 : i32 to index
      %get3A_158 = tpu.vector_load %arg10[%get3A_157] {strides = array<i32>} : memref<16384xf32, #tpu.memory_space<vmem>>, vector<16xf32>,
      %get3A_159 = vector.shape_cast %get3A_158 : vector<16xf32> to vector<16xf32>
      %gt3A_160 = arith.constant 0.000000e+00 : f32
      %gt3A_161 = vector.broadcast %gt3A_160 : f32 to vector<16xf32>
      %gt3A_162 = arith.cmpf ogt, %get3A_159, %gt3A_161 : vector<16xf32>
      %sub3A_163 = arith.subf %get3A_153, %get3A_156 : vector<16xf32>
      %abs3A_164 = math.absf %sub3A_163 : vector<16xf32>
      %jit3A_165 = arith.constant 0.000000e+00 : f32
      %broadcast_in_dim3A_166 = vector.broadcast %jit3A_165 : f32 to vector<16xf32>
      %select_n3A_167 = arith.select %gt3A_162, %abs3A_164, %broadcast_in_dim3A_166 : vector<16xi1>, vector<16xf32>
      %add3A_168 = arith.addf %scan3A_118, %select_n3A_167 : vector<16xf32>
      %jit3A_169 = arith.constant 1.000000e+00 : f32
      %jit3A_170 = arith.constant 0.000000e+00 : f32
      %broadcast_in_dim3A_171 = vector.broadcast %jit3A_169 : f32 to vector<16xf32>
      %broadcast_in_dim3A_172 = vector.broadcast %jit3A_170 : f32 to vector<16xf32>
      %select_n3A_173 = arith.select %gt3A_162, %broadcast_in_dim3A_171, %broadcast_in_dim3A_172 : vector<16xi1>, vector<16xf32>
      %add3A_174 = arith.addf %scan3A_122, %select_n3A_173 : vector<16xf32>
      %mul3A_175 = arith.constant 64 : i32
      %mul3A_176 = arith.muli %scan3A_116, %mul3A_175 : i32
      %add3A_177 = arith.constant 32 : i32
      %add3A_178 = arith.addi %mul3A_176, %add3A_177 : i32
      %get3A_179 = arith.index_cast %add3A_178 : i32 to index
      %get3A_180 = tpu.vector_load %arg8[%get3A_179] {strides = array<i32>} : memref<16384xf32, #tpu.memory_space<vmem>>, vector<16xf32>,
      %get3A_181 = vector.shape_cast %get3A_180 : vector<16xf32> to vector<16xf32>
      %get3A_182 = arith.index_cast %add3A_178 : i32 to index
      %get3A_183 = tpu.vector_load %arg9[%get3A_182] {strides = array<i32>} : memref<16384xf32, #tpu.memory_space<vmem>>, vector<16xf32>,
      %get3A_184 = vector.shape_cast %get3A_183 : vector<16xf32> to vector<16xf32>
      %get3A_185 = arith.index_cast %add3A_178 : i32 to index
      %get3A_186 = tpu.vector_load %arg10[%get3A_185] {strides = array<i32>} : memref<16384xf32, #tpu.memory_space<vmem>>, vector<16xf32>,
      %get3A_187 = vector.shape_cast %get3A_186 : vector<16xf32> to vector<16xf32>
      %gt3A_188 = arith.constant 0.000000e+00 : f32
      %gt3A_189 = vector.broadcast %gt3A_188 : f32 to vector<16xf32>
      %gt3A_190 = arith.cmpf ogt, %get3A_187, %gt3A_189 : vector<16xf32>
      %sub3A_191 = arith.subf %get3A_181, %get3A_184 : vector<16xf32>
      %abs3A_192 = math.absf %sub3A_191 : vector<16xf32>
      %jit3A_193 = arith.constant 0.000000e+00 : f32
      %broadcast_in_dim3A_194 = vector.broadcast %jit3A_193 : f32 to vector<16xf32>
      %select_n3A_195 = arith.select %gt3A_190, %abs3A_192, %broadcast_in_dim3A_194 : vector<16xi1>, vector<16xf32>
      %add3A_196 = arith.addf %scan3A_119, %select_n3A_195 : vector<16xf32>
      %jit3A_197 = arith.constant 1.000000e+00 : f32
      %jit3A_198 = arith.constant 0.000000e+00 : f32
      %broadcast_in_dim3A_199 = vector.broadcast %jit3A_197 : f32 to vector<16xf32>
      %broadcast_in_dim3A_200 = vector.broadcast %jit3A_198 : f32 to vector<16xf32>
      %select_n3A_201 = arith.select %gt3A_190, %broadcast_in_dim3A_199, %broadcast_in_dim3A_200 : vector<16xi1>, vector<16xf32>
      %add3A_202 = arith.addf %scan3A_123, %select_n3A_201 : vector<16xf32>
      %mul3A_203 = arith.constant 64 : i32
      %mul3A_204 = arith.muli %scan3A_116, %mul3A_203 : i32
      %add3A_205 = arith.constant 48 : i32
      %add3A_206 = arith.addi %mul3A_204, %add3A_205 : i32
      %get3A_207 = arith.index_cast %add3A_206 : i32 to index
      %get3A_208 = tpu.vector_load %arg8[%get3A_207] {strides = array<i32>} : memref<16384xf32, #tpu.memory_space<vmem>>, vector<16xf32>,
      %get3A_209 = vector.shape_cast %get3A_208 : vector<16xf32> to vector<16xf32>
      %get3A_210 = arith.index_cast %add3A_206 : i32 to index
      %get3A_211 = tpu.vector_load %arg9[%get3A_210] {strides = array<i32>} : memref<16384xf32, #tpu.memory_space<vmem>>, vector<16xf32>,
      %get3A_212 = vector.shape_cast %get3A_211 : vector<16xf32> to vector<16xf32>
      %get3A_213 = arith.index_cast %add3A_206 : i32 to index
      %get3A_214 = tpu.vector_load %arg10[%get3A_213] {strides = array<i32>} : memref<16384xf32, #tpu.memory_space<vmem>>, vector<16xf32>,
      %get3A_215 = vector.shape_cast %get3A_214 : vector<16xf32> to vector<16xf32>
      %gt3A_216 = arith.constant 0.000000e+00 : f32
      %gt3A_217 = vector.broadcast %gt3A_216 : f32 to vector<16xf32>
      %gt3A_218 = arith.cmpf ogt, %get3A_215, %gt3A_217 : vector<16xf32>
      %sub3A_219 = arith.subf %get3A_209, %get3A_212 : vector<16xf32>
      %abs3A_220 = math.absf %sub3A_219 : vector<16xf32>
      %jit3A_221 = arith.constant 0.000000e+00 : f32
      %broadcast_in_dim3A_222 = vector.broadcast %jit3A_221 : f32 to vector<16xf32>
      %select_n3A_223 = arith.select %gt3A_218, %abs3A_220, %broadcast_in_dim3A_222 : vector<16xi1>, vector<16xf32>
      %add3A_224 = arith.addf %scan3A_120, %select_n3A_223 : vector<16xf32>
      %jit3A_225 = arith.constant 1.000000e+00 : f32
      %jit3A_226 = arith.constant 0.000000e+00 : f32
      %broadcast_in_dim3A_227 = vector.broadcast %jit3A_225 : f32 to vector<16xf32>
      %broadcast_in_dim3A_228 = vector.broadcast %jit3A_226 : f32 to vector<16xf32>
      %select_n3A_229 = arith.select %gt3A_218, %broadcast_in_dim3A_227, %broadcast_in_dim3A_228 : vector<16xi1>, vector<16xf32>
      %add3A_230 = arith.addf %scan3A_124, %select_n3A_229 : vector<16xf32>
      scf.yield %add3A_140, %add3A_168, %add3A_196, %add3A_224, %add3A_146, %add3A_174, %add3A_202, %add3A_230 : vector<16xf32>, vector<16xf32>, vector<16xf32>, vector<16xf32>, vector<16xf32>, vector<16xf32>, vector<16xf32>, vector<16xf32>
    }
    %scan3A_68 = arith.constant 256 : i32
    %add3A_69 = arith.constant 49152 : i32
    %add3A_70 = arith.addi %mul3A_2, %add3A_69 : i32
    %dma_start3A_71 = tpu.memref_slice %arg2[%add3A_70] : memref<4194304xf32, #tpu.memory_space<hbm>> -> memref<16384xf32, #tpu.memory_space<hbm>>
    %dma_start3A_72 = tpu.memref_slice %arg2[%add3A_70] : memref<4194304xf32, #tpu.memory_space<hbm>> -> memref<16384xf32, #tpu.memory_space<hbm>>
    tpu.enqueue_dma source(%dma_start3A_72 : memref<16384xf32, #tpu.memory_space<hbm>>) target(%arg8 : memref<16384xf32, #tpu.memory_space<vmem>>) target_semaphore(%arg13 : memref<!tpu.dma_semaphore, #tpu.memory_space<semaphore_mem>>)
    %dma_start3A_73 = tpu.memref_slice %arg3[%add3A_70] : memref<4194304xf32, #tpu.memory_space<hbm>> -> memref<16384xf32, #tpu.memory_space<hbm>>
    %dma_start3A_74 = tpu.memref_slice %arg3[%add3A_70] : memref<4194304xf32, #tpu.memory_space<hbm>> -> memref<16384xf32, #tpu.memory_space<hbm>>
    tpu.enqueue_dma source(%dma_start3A_74 : memref<16384xf32, #tpu.memory_space<hbm>>) target(%arg9 : memref<16384xf32, #tpu.memory_space<vmem>>) target_semaphore(%arg13 : memref<!tpu.dma_semaphore, #tpu.memory_space<semaphore_mem>>)
    %add3A_75 = arith.constant 2097152 : i32
    %add3A_76 = arith.addi %add3A_75, %add3A_70 : i32
    %dma_start3A_77 = tpu.memref_slice %arg3[%add3A_76] : memref<4194304xf32, #tpu.memory_space<hbm>> -> memref<16384xf32, #tpu.memory_space<hbm>>
    %dma_start3A_78 = tpu.memref_slice %arg3[%add3A_76] : memref<4194304xf32, #tpu.memory_space<hbm>> -> memref<16384xf32, #tpu.memory_space<hbm>>
    tpu.enqueue_dma source(%dma_start3A_78 : memref<16384xf32, #tpu.memory_space<hbm>>) target(%arg10 : memref<16384xf32, #tpu.memory_space<vmem>>) target_semaphore(%arg13 : memref<!tpu.dma_semaphore, #tpu.memory_space<semaphore_mem>>)
    %dma_wait3A_79 = tpu.memref_slice %arg2[%add3A_48] : memref<4194304xf32, #tpu.memory_space<hbm>> -> memref<16384xf32, #tpu.memory_space<hbm>>
    %dma_wait3A_80 = tpu.memref_slice %arg2[%add3A_48] : memref<4194304xf32, #tpu.memory_space<hbm>> -> memref<16384xf32, #tpu.memory_space<hbm>>
    tpu.wait_dma2 semaphore(%arg12 : memref<!tpu.dma_semaphore, #tpu.memory_space<semaphore_mem>>) src(%dma_wait3A_80 : memref<16384xf32, #tpu.memory_space<hbm>>) dst(%arg5 : memref<16384xf32, #tpu.memory_space<vmem>>)
    %dma_wait3A_81 = tpu.memref_slice %arg3[%add3A_48] : memref<4194304xf32, #tpu.memory_space<hbm>> -> memref<16384xf32, #tpu.memory_space<hbm>>
    %dma_wait3A_82 = tpu.memref_slice %arg3[%add3A_48] : memref<4194304xf32, #tpu.memory_space<hbm>> -> memref<16384xf32, #tpu.memory_space<hbm>>
    tpu.wait_dma2 semaphore(%arg12 : memref<!tpu.dma_semaphore, #tpu.memory_space<semaphore_mem>>) src(%dma_wait3A_82 : memref<16384xf32, #tpu.memory_space<hbm>>) dst(%arg6 : memref<16384xf32, #tpu.memory_space<vmem>>)
    %dma_wait3A_83 = tpu.memref_slice %arg3[%add3A_54] : memref<4194304xf32, #tpu.memory_space<hbm>> -> memref<16384xf32, #tpu.memory_space<hbm>>
    %dma_wait3A_84 = tpu.memref_slice %arg3[%add3A_54] : memref<4194304xf32, #tpu.memory_space<hbm>> -> memref<16384xf32, #tpu.memory_space<hbm>>
    tpu.wait_dma2 semaphore(%arg12 : memref<!tpu.dma_semaphore, #tpu.memory_space<semaphore_mem>>) src(%dma_wait3A_84 : memref<16384xf32, #tpu.memory_space<hbm>>) dst(%arg7 : memref<16384xf32, #tpu.memory_space<vmem>>)
    %scan3A_85 = arith.constant 0 : i32
    %scan3A_86 = arith.constant 256 : i32
    %scan3A_87 = arith.addi %scan3A_85, %scan3A_86 : i32
    %scan3A_88 = arith.constant 1 : i32
    %scan3A_89:8 = scf.for %scan3A_116 = %scan3A_85 to %scan3A_87 step %scan3A_88 iter_args(%scan3A_117 = %scan3A_67#0, %scan3A_118 = %scan3A_67#1, %scan3A_119 = %scan3A_67#2, %scan3A_120 = %scan3A_67#3, %scan3A_121 = %scan3A_67#4, %scan3A_122 = %scan3A_67#5, %scan3A_123 = %scan3A_67#6, %scan3A_124 = %scan3A_67#7) -> (vector<16xf32>, vector<16xf32>, vector<16xf32>, vector<16xf32>, vector<16xf32>, vector<16xf32>, vector<16xf32>, vector<16xf32>)  : i32 {
      %mul3A_125 = arith.constant 64 : i32
      %mul3A_126 = arith.muli %scan3A_116, %mul3A_125 : i32
      %add3A_127 = arith.constant 0 : i32
      %add3A_128 = arith.addi %mul3A_126, %add3A_127 : i32
      %get3A = arith.index_cast %add3A_128 : i32 to index
      %get3A_129 = tpu.vector_load %arg5[%get3A] {strides = array<i32>} : memref<16384xf32, #tpu.memory_space<vmem>>, vector<16xf32>,
      %get3A_130 = vector.shape_cast %get3A_129 : vector<16xf32> to vector<16xf32>
      %get3A_131 = arith.index_cast %add3A_128 : i32 to index
      %get3A_132 = tpu.vector_load %arg6[%get3A_131] {strides = array<i32>} : memref<16384xf32, #tpu.memory_space<vmem>>, vector<16xf32>,
      %get3A_133 = vector.shape_cast %get3A_132 : vector<16xf32> to vector<16xf32>
      %get3A_134 = arith.index_cast %add3A_128 : i32 to index
      %get3A_135 = tpu.vector_load %arg7[%get3A_134] {strides = array<i32>} : memref<16384xf32, #tpu.memory_space<vmem>>, vector<16xf32>,
      %get3A_136 = vector.shape_cast %get3A_135 : vector<16xf32> to vector<16xf32>
      %gt3A = arith.constant 0.000000e+00 : f32
      %gt3A_137 = vector.broadcast %gt3A : f32 to vector<16xf32>
      %gt3A_138 = arith.cmpf ogt, %get3A_136, %gt3A_137 : vector<16xf32>
      %sub3A = arith.subf %get3A_130, %get3A_133 : vector<16xf32>
      %abs3A = math.absf %sub3A : vector<16xf32>
      %jit3A = arith.constant 0.000000e+00 : f32
      %broadcast_in_dim3A_139 = vector.broadcast %jit3A : f32 to vector<16xf32>
      %select_n3A = arith.select %gt3A_138, %abs3A, %broadcast_in_dim3A_139 : vector<16xi1>, vector<16xf32>
      %add3A_140 = arith.addf %scan3A_117, %select_n3A : vector<16xf32>
      %jit3A_141 = arith.constant 1.000000e+00 : f32
      %jit3A_142 = arith.constant 0.000000e+00 : f32
      %broadcast_in_dim3A_143 = vector.broadcast %jit3A_141 : f32 to vector<16xf32>
      %broadcast_in_dim3A_144 = vector.broadcast %jit3A_142 : f32 to vector<16xf32>
      %select_n3A_145 = arith.select %gt3A_138, %broadcast_in_dim3A_143, %broadcast_in_dim3A_144 : vector<16xi1>, vector<16xf32>
      %add3A_146 = arith.addf %scan3A_121, %select_n3A_145 : vector<16xf32>
      %mul3A_147 = arith.constant 64 : i32
      %mul3A_148 = arith.muli %scan3A_116, %mul3A_147 : i32
      %add3A_149 = arith.constant 16 : i32
      %add3A_150 = arith.addi %mul3A_148, %add3A_149 : i32
      %get3A_151 = arith.index_cast %add3A_150 : i32 to index
      %get3A_152 = tpu.vector_load %arg5[%get3A_151] {strides = array<i32>} : memref<16384xf32, #tpu.memory_space<vmem>>, vector<16xf32>,
      %get3A_153 = vector.shape_cast %get3A_152 : vector<16xf32> to vector<16xf32>
      %get3A_154 = arith.index_cast %add3A_150 : i32 to index
      %get3A_155 = tpu.vector_load %arg6[%get3A_154] {strides = array<i32>} : memref<16384xf32, #tpu.memory_space<vmem>>, vector<16xf32>,
      %get3A_156 = vector.shape_cast %get3A_155 : vector<16xf32> to vector<16xf32>
      %get3A_157 = arith.index_cast %add3A_150 : i32 to index
      %get3A_158 = tpu.vector_load %arg7[%get3A_157] {strides = array<i32>} : memref<16384xf32, #tpu.memory_space<vmem>>, vector<16xf32>,
      %get3A_159 = vector.shape_cast %get3A_158 : vector<16xf32> to vector<16xf32>
      %gt3A_160 = arith.constant 0.000000e+00 : f32
      %gt3A_161 = vector.broadcast %gt3A_160 : f32 to vector<16xf32>
      %gt3A_162 = arith.cmpf ogt, %get3A_159, %gt3A_161 : vector<16xf32>
      %sub3A_163 = arith.subf %get3A_153, %get3A_156 : vector<16xf32>
      %abs3A_164 = math.absf %sub3A_163 : vector<16xf32>
      %jit3A_165 = arith.constant 0.000000e+00 : f32
      %broadcast_in_dim3A_166 = vector.broadcast %jit3A_165 : f32 to vector<16xf32>
      %select_n3A_167 = arith.select %gt3A_162, %abs3A_164, %broadcast_in_dim3A_166 : vector<16xi1>, vector<16xf32>
      %add3A_168 = arith.addf %scan3A_118, %select_n3A_167 : vector<16xf32>
      %jit3A_169 = arith.constant 1.000000e+00 : f32
      %jit3A_170 = arith.constant 0.000000e+00 : f32
      %broadcast_in_dim3A_171 = vector.broadcast %jit3A_169 : f32 to vector<16xf32>
      %broadcast_in_dim3A_172 = vector.broadcast %jit3A_170 : f32 to vector<16xf32>
      %select_n3A_173 = arith.select %gt3A_162, %broadcast_in_dim3A_171, %broadcast_in_dim3A_172 : vector<16xi1>, vector<16xf32>
      %add3A_174 = arith.addf %scan3A_122, %select_n3A_173 : vector<16xf32>
      %mul3A_175 = arith.constant 64 : i32
      %mul3A_176 = arith.muli %scan3A_116, %mul3A_175 : i32
      %add3A_177 = arith.constant 32 : i32
      %add3A_178 = arith.addi %mul3A_176, %add3A_177 : i32
      %get3A_179 = arith.index_cast %add3A_178 : i32 to index
      %get3A_180 = tpu.vector_load %arg5[%get3A_179] {strides = array<i32>} : memref<16384xf32, #tpu.memory_space<vmem>>, vector<16xf32>,
      %get3A_181 = vector.shape_cast %get3A_180 : vector<16xf32> to vector<16xf32>
      %get3A_182 = arith.index_cast %add3A_178 : i32 to index
      %get3A_183 = tpu.vector_load %arg6[%get3A_182] {strides = array<i32>} : memref<16384xf32, #tpu.memory_space<vmem>>, vector<16xf32>,
      %get3A_184 = vector.shape_cast %get3A_183 : vector<16xf32> to vector<16xf32>
      %get3A_185 = arith.index_cast %add3A_178 : i32 to index
      %get3A_186 = tpu.vector_load %arg7[%get3A_185] {strides = array<i32>} : memref<16384xf32, #tpu.memory_space<vmem>>, vector<16xf32>,
      %get3A_187 = vector.shape_cast %get3A_186 : vector<16xf32> to vector<16xf32>
      %gt3A_188 = arith.constant 0.000000e+00 : f32
      %gt3A_189 = vector.broadcast %gt3A_188 : f32 to vector<16xf32>
      %gt3A_190 = arith.cmpf ogt, %get3A_187, %gt3A_189 : vector<16xf32>
      %sub3A_191 = arith.subf %get3A_181, %get3A_184 : vector<16xf32>
      %abs3A_192 = math.absf %sub3A_191 : vector<16xf32>
      %jit3A_193 = arith.constant 0.000000e+00 : f32
      %broadcast_in_dim3A_194 = vector.broadcast %jit3A_193 : f32 to vector<16xf32>
      %select_n3A_195 = arith.select %gt3A_190, %abs3A_192, %broadcast_in_dim3A_194 : vector<16xi1>, vector<16xf32>
      %add3A_196 = arith.addf %scan3A_119, %select_n3A_195 : vector<16xf32>
      %jit3A_197 = arith.constant 1.000000e+00 : f32
      %jit3A_198 = arith.constant 0.000000e+00 : f32
      %broadcast_in_dim3A_199 = vector.broadcast %jit3A_197 : f32 to vector<16xf32>
      %broadcast_in_dim3A_200 = vector.broadcast %jit3A_198 : f32 to vector<16xf32>
      %select_n3A_201 = arith.select %gt3A_190, %broadcast_in_dim3A_199, %broadcast_in_dim3A_200 : vector<16xi1>, vector<16xf32>
      %add3A_202 = arith.addf %scan3A_123, %select_n3A_201 : vector<16xf32>
      %mul3A_203 = arith.constant 64 : i32
      %mul3A_204 = arith.muli %scan3A_116, %mul3A_203 : i32
      %add3A_205 = arith.constant 48 : i32
      %add3A_206 = arith.addi %mul3A_204, %add3A_205 : i32
      %get3A_207 = arith.index_cast %add3A_206 : i32 to index
      %get3A_208 = tpu.vector_load %arg5[%get3A_207] {strides = array<i32>} : memref<16384xf32, #tpu.memory_space<vmem>>, vector<16xf32>,
      %get3A_209 = vector.shape_cast %get3A_208 : vector<16xf32> to vector<16xf32>
      %get3A_210 = arith.index_cast %add3A_206 : i32 to index
      %get3A_211 = tpu.vector_load %arg6[%get3A_210] {strides = array<i32>} : memref<16384xf32, #tpu.memory_space<vmem>>, vector<16xf32>,
      %get3A_212 = vector.shape_cast %get3A_211 : vector<16xf32> to vector<16xf32>
      %get3A_213 = arith.index_cast %add3A_206 : i32 to index
      %get3A_214 = tpu.vector_load %arg7[%get3A_213] {strides = array<i32>} : memref<16384xf32, #tpu.memory_space<vmem>>, vector<16xf32>,
      %get3A_215 = vector.shape_cast %get3A_214 : vector<16xf32> to vector<16xf32>
      %gt3A_216 = arith.constant 0.000000e+00 : f32
      %gt3A_217 = vector.broadcast %gt3A_216 : f32 to vector<16xf32>
      %gt3A_218 = arith.cmpf ogt, %get3A_215, %gt3A_217 : vector<16xf32>
      %sub3A_219 = arith.subf %get3A_209, %get3A_212 : vector<16xf32>
      %abs3A_220 = math.absf %sub3A_219 : vector<16xf32>
      %jit3A_221 = arith.constant 0.000000e+00 : f32
      %broadcast_in_dim3A_222 = vector.broadcast %jit3A_221 : f32 to vector<16xf32>
      %select_n3A_223 = arith.select %gt3A_218, %abs3A_220, %broadcast_in_dim3A_222 : vector<16xi1>, vector<16xf32>
      %add3A_224 = arith.addf %scan3A_120, %select_n3A_223 : vector<16xf32>
      %jit3A_225 = arith.constant 1.000000e+00 : f32
      %jit3A_226 = arith.constant 0.000000e+00 : f32
      %broadcast_in_dim3A_227 = vector.broadcast %jit3A_225 : f32 to vector<16xf32>
      %broadcast_in_dim3A_228 = vector.broadcast %jit3A_226 : f32 to vector<16xf32>
      %select_n3A_229 = arith.select %gt3A_218, %broadcast_in_dim3A_227, %broadcast_in_dim3A_228 : vector<16xi1>, vector<16xf32>
      %add3A_230 = arith.addf %scan3A_124, %select_n3A_229 : vector<16xf32>
      scf.yield %add3A_140, %add3A_168, %add3A_196, %add3A_224, %add3A_146, %add3A_174, %add3A_202, %add3A_230 : vector<16xf32>, vector<16xf32>, vector<16xf32>, vector<16xf32>, vector<16xf32>, vector<16xf32>, vector<16xf32>, vector<16xf32>
    }
    %scan3A_90 = arith.constant 256 : i32
    %dma_wait3A_91 = tpu.memref_slice %arg2[%add3A_70] : memref<4194304xf32, #tpu.memory_space<hbm>> -> memref<16384xf32, #tpu.memory_space<hbm>>
    %dma_wait3A_92 = tpu.memref_slice %arg2[%add3A_70] : memref<4194304xf32, #tpu.memory_space<hbm>> -> memref<16384xf32, #tpu.memory_space<hbm>>
    tpu.wait_dma2 semaphore(%arg13 : memref<!tpu.dma_semaphore, #tpu.memory_space<semaphore_mem>>) src(%dma_wait3A_92 : memref<16384xf32, #tpu.memory_space<hbm>>) dst(%arg8 : memref<16384xf32, #tpu.memory_space<vmem>>)
    %dma_wait3A_93 = tpu.memref_slice %arg3[%add3A_70] : memref<4194304xf32, #tpu.memory_space<hbm>> -> memref<16384xf32, #tpu.memory_space<hbm>>
    %dma_wait3A_94 = tpu.memref_slice %arg3[%add3A_70] : memref<4194304xf32, #tpu.memory_space<hbm>> -> memref<16384xf32, #tpu.memory_space<hbm>>
    tpu.wait_dma2 semaphore(%arg13 : memref<!tpu.dma_semaphore, #tpu.memory_space<semaphore_mem>>) src(%dma_wait3A_94 : memref<16384xf32, #tpu.memory_space<hbm>>) dst(%arg9 : memref<16384xf32, #tpu.memory_space<vmem>>)
    %dma_wait3A_95 = tpu.memref_slice %arg3[%add3A_76] : memref<4194304xf32, #tpu.memory_space<hbm>> -> memref<16384xf32, #tpu.memory_space<hbm>>
    %dma_wait3A_96 = tpu.memref_slice %arg3[%add3A_76] : memref<4194304xf32, #tpu.memory_space<hbm>> -> memref<16384xf32, #tpu.memory_space<hbm>>
    tpu.wait_dma2 semaphore(%arg13 : memref<!tpu.dma_semaphore, #tpu.memory_space<semaphore_mem>>) src(%dma_wait3A_96 : memref<16384xf32, #tpu.memory_space<hbm>>) dst(%arg10 : memref<16384xf32, #tpu.memory_space<vmem>>)
    %scan3A_97 = arith.constant 0 : i32
    %scan3A_98 = arith.constant 256 : i32
    %scan3A_99 = arith.addi %scan3A_97, %scan3A_98 : i32
    %scan3A_100 = arith.constant 1 : i32
    %scan3A_101:8 = scf.for %scan3A_116 = %scan3A_97 to %scan3A_99 step %scan3A_100 iter_args(%scan3A_117 = %scan3A_89#0, %scan3A_118 = %scan3A_89#1, %scan3A_119 = %scan3A_89#2, %scan3A_120 = %scan3A_89#3, %scan3A_121 = %scan3A_89#4, %scan3A_122 = %scan3A_89#5, %scan3A_123 = %scan3A_89#6, %scan3A_124 = %scan3A_89#7) -> (vector<16xf32>, vector<16xf32>, vector<16xf32>, vector<16xf32>, vector<16xf32>, vector<16xf32>, vector<16xf32>, vector<16xf32>)  : i32 {
      %mul3A_125 = arith.constant 64 : i32
      %mul3A_126 = arith.muli %scan3A_116, %mul3A_125 : i32
      %add3A_127 = arith.constant 0 : i32
      %add3A_128 = arith.addi %mul3A_126, %add3A_127 : i32
      %get3A = arith.index_cast %add3A_128 : i32 to index
      %get3A_129 = tpu.vector_load %arg8[%get3A] {strides = array<i32>} : memref<16384xf32, #tpu.memory_space<vmem>>, vector<16xf32>,
      %get3A_130 = vector.shape_cast %get3A_129 : vector<16xf32> to vector<16xf32>
      %get3A_131 = arith.index_cast %add3A_128 : i32 to index
      %get3A_132 = tpu.vector_load %arg9[%get3A_131] {strides = array<i32>} : memref<16384xf32, #tpu.memory_space<vmem>>, vector<16xf32>,
      %get3A_133 = vector.shape_cast %get3A_132 : vector<16xf32> to vector<16xf32>
      %get3A_134 = arith.index_cast %add3A_128 : i32 to index
      %get3A_135 = tpu.vector_load %arg10[%get3A_134] {strides = array<i32>} : memref<16384xf32, #tpu.memory_space<vmem>>, vector<16xf32>,
      %get3A_136 = vector.shape_cast %get3A_135 : vector<16xf32> to vector<16xf32>
      %gt3A = arith.constant 0.000000e+00 : f32
      %gt3A_137 = vector.broadcast %gt3A : f32 to vector<16xf32>
      %gt3A_138 = arith.cmpf ogt, %get3A_136, %gt3A_137 : vector<16xf32>
      %sub3A = arith.subf %get3A_130, %get3A_133 : vector<16xf32>
      %abs3A = math.absf %sub3A : vector<16xf32>
      %jit3A = arith.constant 0.000000e+00 : f32
      %broadcast_in_dim3A_139 = vector.broadcast %jit3A : f32 to vector<16xf32>
      %select_n3A = arith.select %gt3A_138, %abs3A, %broadcast_in_dim3A_139 : vector<16xi1>, vector<16xf32>
      %add3A_140 = arith.addf %scan3A_117, %select_n3A : vector<16xf32>
      %jit3A_141 = arith.constant 1.000000e+00 : f32
      %jit3A_142 = arith.constant 0.000000e+00 : f32
      %broadcast_in_dim3A_143 = vector.broadcast %jit3A_141 : f32 to vector<16xf32>
      %broadcast_in_dim3A_144 = vector.broadcast %jit3A_142 : f32 to vector<16xf32>
      %select_n3A_145 = arith.select %gt3A_138, %broadcast_in_dim3A_143, %broadcast_in_dim3A_144 : vector<16xi1>, vector<16xf32>
      %add3A_146 = arith.addf %scan3A_121, %select_n3A_145 : vector<16xf32>
      %mul3A_147 = arith.constant 64 : i32
      %mul3A_148 = arith.muli %scan3A_116, %mul3A_147 : i32
      %add3A_149 = arith.constant 16 : i32
      %add3A_150 = arith.addi %mul3A_148, %add3A_149 : i32
      %get3A_151 = arith.index_cast %add3A_150 : i32 to index
      %get3A_152 = tpu.vector_load %arg8[%get3A_151] {strides = array<i32>} : memref<16384xf32, #tpu.memory_space<vmem>>, vector<16xf32>,
      %get3A_153 = vector.shape_cast %get3A_152 : vector<16xf32> to vector<16xf32>
      %get3A_154 = arith.index_cast %add3A_150 : i32 to index
      %get3A_155 = tpu.vector_load %arg9[%get3A_154] {strides = array<i32>} : memref<16384xf32, #tpu.memory_space<vmem>>, vector<16xf32>,
      %get3A_156 = vector.shape_cast %get3A_155 : vector<16xf32> to vector<16xf32>
      %get3A_157 = arith.index_cast %add3A_150 : i32 to index
      %get3A_158 = tpu.vector_load %arg10[%get3A_157] {strides = array<i32>} : memref<16384xf32, #tpu.memory_space<vmem>>, vector<16xf32>,
      %get3A_159 = vector.shape_cast %get3A_158 : vector<16xf32> to vector<16xf32>
      %gt3A_160 = arith.constant 0.000000e+00 : f32
      %gt3A_161 = vector.broadcast %gt3A_160 : f32 to vector<16xf32>
      %gt3A_162 = arith.cmpf ogt, %get3A_159, %gt3A_161 : vector<16xf32>
      %sub3A_163 = arith.subf %get3A_153, %get3A_156 : vector<16xf32>
      %abs3A_164 = math.absf %sub3A_163 : vector<16xf32>
      %jit3A_165 = arith.constant 0.000000e+00 : f32
      %broadcast_in_dim3A_166 = vector.broadcast %jit3A_165 : f32 to vector<16xf32>
      %select_n3A_167 = arith.select %gt3A_162, %abs3A_164, %broadcast_in_dim3A_166 : vector<16xi1>, vector<16xf32>
      %add3A_168 = arith.addf %scan3A_118, %select_n3A_167 : vector<16xf32>
      %jit3A_169 = arith.constant 1.000000e+00 : f32
      %jit3A_170 = arith.constant 0.000000e+00 : f32
      %broadcast_in_dim3A_171 = vector.broadcast %jit3A_169 : f32 to vector<16xf32>
      %broadcast_in_dim3A_172 = vector.broadcast %jit3A_170 : f32 to vector<16xf32>
      %select_n3A_173 = arith.select %gt3A_162, %broadcast_in_dim3A_171, %broadcast_in_dim3A_172 : vector<16xi1>, vector<16xf32>
      %add3A_174 = arith.addf %scan3A_122, %select_n3A_173 : vector<16xf32>
      %mul3A_175 = arith.constant 64 : i32
      %mul3A_176 = arith.muli %scan3A_116, %mul3A_175 : i32
      %add3A_177 = arith.constant 32 : i32
      %add3A_178 = arith.addi %mul3A_176, %add3A_177 : i32
      %get3A_179 = arith.index_cast %add3A_178 : i32 to index
      %get3A_180 = tpu.vector_load %arg8[%get3A_179] {strides = array<i32>} : memref<16384xf32, #tpu.memory_space<vmem>>, vector<16xf32>,
      %get3A_181 = vector.shape_cast %get3A_180 : vector<16xf32> to vector<16xf32>
      %get3A_182 = arith.index_cast %add3A_178 : i32 to index
      %get3A_183 = tpu.vector_load %arg9[%get3A_182] {strides = array<i32>} : memref<16384xf32, #tpu.memory_space<vmem>>, vector<16xf32>,
      %get3A_184 = vector.shape_cast %get3A_183 : vector<16xf32> to vector<16xf32>
      %get3A_185 = arith.index_cast %add3A_178 : i32 to index
      %get3A_186 = tpu.vector_load %arg10[%get3A_185] {strides = array<i32>} : memref<16384xf32, #tpu.memory_space<vmem>>, vector<16xf32>,
      %get3A_187 = vector.shape_cast %get3A_186 : vector<16xf32> to vector<16xf32>
      %gt3A_188 = arith.constant 0.000000e+00 : f32
      %gt3A_189 = vector.broadcast %gt3A_188 : f32 to vector<16xf32>
      %gt3A_190 = arith.cmpf ogt, %get3A_187, %gt3A_189 : vector<16xf32>
      %sub3A_191 = arith.subf %get3A_181, %get3A_184 : vector<16xf32>
      %abs3A_192 = math.absf %sub3A_191 : vector<16xf32>
      %jit3A_193 = arith.constant 0.000000e+00 : f32
      %broadcast_in_dim3A_194 = vector.broadcast %jit3A_193 : f32 to vector<16xf32>
      %select_n3A_195 = arith.select %gt3A_190, %abs3A_192, %broadcast_in_dim3A_194 : vector<16xi1>, vector<16xf32>
      %add3A_196 = arith.addf %scan3A_119, %select_n3A_195 : vector<16xf32>
      %jit3A_197 = arith.constant 1.000000e+00 : f32
      %jit3A_198 = arith.constant 0.000000e+00 : f32
      %broadcast_in_dim3A_199 = vector.broadcast %jit3A_197 : f32 to vector<16xf32>
      %broadcast_in_dim3A_200 = vector.broadcast %jit3A_198 : f32 to vector<16xf32>
      %select_n3A_201 = arith.select %gt3A_190, %broadcast_in_dim3A_199, %broadcast_in_dim3A_200 : vector<16xi1>, vector<16xf32>
      %add3A_202 = arith.addf %scan3A_123, %select_n3A_201 : vector<16xf32>
      %mul3A_203 = arith.constant 64 : i32
      %mul3A_204 = arith.muli %scan3A_116, %mul3A_203 : i32
      %add3A_205 = arith.constant 48 : i32
      %add3A_206 = arith.addi %mul3A_204, %add3A_205 : i32
      %get3A_207 = arith.index_cast %add3A_206 : i32 to index
      %get3A_208 = tpu.vector_load %arg8[%get3A_207] {strides = array<i32>} : memref<16384xf32, #tpu.memory_space<vmem>>, vector<16xf32>,
      %get3A_209 = vector.shape_cast %get3A_208 : vector<16xf32> to vector<16xf32>
      %get3A_210 = arith.index_cast %add3A_206 : i32 to index
      %get3A_211 = tpu.vector_load %arg9[%get3A_210] {strides = array<i32>} : memref<16384xf32, #tpu.memory_space<vmem>>, vector<16xf32>,
      %get3A_212 = vector.shape_cast %get3A_211 : vector<16xf32> to vector<16xf32>
      %get3A_213 = arith.index_cast %add3A_206 : i32 to index
      %get3A_214 = tpu.vector_load %arg10[%get3A_213] {strides = array<i32>} : memref<16384xf32, #tpu.memory_space<vmem>>, vector<16xf32>,
      %get3A_215 = vector.shape_cast %get3A_214 : vector<16xf32> to vector<16xf32>
      %gt3A_216 = arith.constant 0.000000e+00 : f32
      %gt3A_217 = vector.broadcast %gt3A_216 : f32 to vector<16xf32>
      %gt3A_218 = arith.cmpf ogt, %get3A_215, %gt3A_217 : vector<16xf32>
      %sub3A_219 = arith.subf %get3A_209, %get3A_212 : vector<16xf32>
      %abs3A_220 = math.absf %sub3A_219 : vector<16xf32>
      %jit3A_221 = arith.constant 0.000000e+00 : f32
      %broadcast_in_dim3A_222 = vector.broadcast %jit3A_221 : f32 to vector<16xf32>
      %select_n3A_223 = arith.select %gt3A_218, %abs3A_220, %broadcast_in_dim3A_222 : vector<16xi1>, vector<16xf32>
      %add3A_224 = arith.addf %scan3A_120, %select_n3A_223 : vector<16xf32>
      %jit3A_225 = arith.constant 1.000000e+00 : f32
      %jit3A_226 = arith.constant 0.000000e+00 : f32
      %broadcast_in_dim3A_227 = vector.broadcast %jit3A_225 : f32 to vector<16xf32>
      %broadcast_in_dim3A_228 = vector.broadcast %jit3A_226 : f32 to vector<16xf32>
      %select_n3A_229 = arith.select %gt3A_218, %broadcast_in_dim3A_227, %broadcast_in_dim3A_228 : vector<16xi1>, vector<16xf32>
      %add3A_230 = arith.addf %scan3A_124, %select_n3A_229 : vector<16xf32>
      scf.yield %add3A_140, %add3A_168, %add3A_196, %add3A_224, %add3A_146, %add3A_174, %add3A_202, %add3A_230 : vector<16xf32>, vector<16xf32>, vector<16xf32>, vector<16xf32>, vector<16xf32>, vector<16xf32>, vector<16xf32>, vector<16xf32>
    }
    %scan3A_102 = arith.constant 256 : i32
    %add3A_103 = arith.addf %scan3A_101#0, %scan3A_101#1 : vector<16xf32>
    %add3A_104 = arith.addf %add3A_103, %scan3A_101#2 : vector<16xf32>
    %add3A_105 = arith.addf %add3A_104, %scan3A_101#3 : vector<16xf32>
    %add3A_106 = arith.addf %scan3A_101#4, %scan3A_101#5 : vector<16xf32>
    %add3A_107 = arith.addf %add3A_106, %scan3A_101#6 : vector<16xf32>
    %add3A_108 = arith.addf %add3A_107, %scan3A_101#7 : vector<16xf32>
    %swap3A = arith.constant 0 : index
    %swap3A_109 = tpu.vector_load %arg11[%swap3A] {strides = array<i32>} : memref<32xf32, #tpu.memory_space<vmem>>, vector<16xf32>,
    %swap3A_110 = vector.shape_cast %swap3A_109 : vector<16xf32> to vector<16xf32>
    %swap3A_111 = vector.shape_cast %add3A_105 : vector<16xf32> to vector<16xf32>
    tpu.vector_store %arg11[%swap3A], %swap3A_111 {strides = array<i32>} : memref<32xf32, #tpu.memory_space<vmem>>, vector<16xf32>,
    %swap3A_112 = arith.constant 16 : index
    %swap3A_113 = tpu.vector_load %arg11[%swap3A_112] {strides = array<i32>} : memref<32xf32, #tpu.memory_space<vmem>>, vector<16xf32>,
    %swap3A_114 = vector.shape_cast %swap3A_113 : vector<16xf32> to vector<16xf32>
    %swap3A_115 = vector.shape_cast %add3A_108 : vector<16xf32> to vector<16xf32>
    tpu.vector_store %arg11[%swap3A_112], %swap3A_115 {strides = array<i32>} : memref<32xf32, #tpu.memory_space<vmem>>, vector<16xf32>,
    "tpu.region"() ({
      %run_scoped3A = tpu.sem_alloc : memref<!tpu.dma_semaphore, #tpu.memory_space<semaphore_mem>>
      %dma_start3A_116 = arith.constant 0 : i32
      %dma_start3A_117 = tpu.memref_slice %arg4[%add3A, %dma_start3A_116] : memref<32x32xf32, #tpu.memory_space<hbm>> -> memref<1x32xf32, #tpu.memory_space<hbm>>
      %dma_start3A_118 = tpu.memref_squeeze %dma_start3A_117 : memref<1x32xf32, #tpu.memory_space<hbm>> -> memref<32xf32, #tpu.memory_space<hbm>>
      %dma_start3A_119 = arith.constant 0 : i32
      %dma_start3A_120 = tpu.memref_slice %arg4[%add3A, %dma_start3A_119] : memref<32x32xf32, #tpu.memory_space<hbm>> -> memref<1x32xf32, #tpu.memory_space<hbm>>
      %dma_start3A_121 = tpu.memref_squeeze %dma_start3A_120 : memref<1x32xf32, #tpu.memory_space<hbm>> -> memref<32xf32, #tpu.memory_space<hbm>>
      tpu.enqueue_dma source(%arg11 : memref<32xf32, #tpu.memory_space<vmem>>) target(%dma_start3A_121 : memref<32xf32, #tpu.memory_space<hbm>>) target_semaphore(%run_scoped3A : memref<!tpu.dma_semaphore, #tpu.memory_space<semaphore_mem>>)
      %dma_wait3A_122 = arith.constant 0 : i32
      %dma_wait3A_123 = tpu.memref_slice %arg4[%add3A, %dma_wait3A_122] : memref<32x32xf32, #tpu.memory_space<hbm>> -> memref<1x32xf32, #tpu.memory_space<hbm>>
      %dma_wait3A_124 = tpu.memref_squeeze %dma_wait3A_123 : memref<1x32xf32, #tpu.memory_space<hbm>> -> memref<32xf32, #tpu.memory_space<hbm>>
      %dma_wait3A_125 = arith.constant 0 : i32
      %dma_wait3A_126 = tpu.memref_slice %arg4[%add3A, %dma_wait3A_125] : memref<32x32xf32, #tpu.memory_space<hbm>> -> memref<1x32xf32, #tpu.memory_space<hbm>>
      %dma_wait3A_127 = tpu.memref_squeeze %dma_wait3A_126 : memref<1x32xf32, #tpu.memory_space<hbm>> -> memref<32xf32, #tpu.memory_space<hbm>>
      tpu.wait_dma2 semaphore(%run_scoped3A : memref<!tpu.dma_semaphore, #tpu.memory_space<semaphore_mem>>) src(%arg11 : memref<32xf32, #tpu.memory_space<vmem>>) dst(%dma_wait3A_127 : memref<32xf32, #tpu.memory_space<hbm>>)
      tpu.yield
    }) : () -> ()
    return
  }
}

</mosaic_0001>

<sc_bundles>
// kernel: kernel.3.cloned.1.call-start
scs
__scs_entry_jumppad:
0x0: {  	(pc) =	sbr.rel $0x88, $3  }
0x1: {  	(tag) =	ssettag $0x0;
	lr =	simm.s32 $0x1  }
0x2: {  	[smem:$0x3F9F] =	sst lr;
	_ =	strace $0xD0000000  }
0x3: {  	_ = 	snop  }
0x4: {  	_ = 	snop  }
0x5: {  	_ = 	snop  }
0x6: {  	_ = 	snop  }
0x7: {  	_ = 	snop  }
__scs_overlays_trampoline_lowered:
0x8: {  	[smem:$0x3FAE] =	sst s0  }
0x9: {  	[smem:$0x3FAF] =	sst s1  }
0xa: {  	[smem:$0x3FB0] =	sst s2  }
0xb: {  	[smem:$0x3FB1] =	sst s3  }
0xc: {  	[smem:$0x3FB2] =	sst s4  }
0xd: {  	[smem:$0x3FB3] =	sst s5  }
0xe: {  	[smem:$0x3FB4] =	sst s6  }
0xf: {  	[smem:$0x3FB5] =	sst s7  }
0x10: {  	[smem:$0x3FB6] =	sst s8  }
0x11: {  	[smem:$0x3FB7] =	sst s9;
	s0 =	simm.s32 @!p0 $0x0  }
0x12: {  	s1 =	sld [smem:$0x3F9D];
	s0 =	simm.s32 @p0 $0x1  }
0x13: {  	[smem:$0x3FB8] =	sst s0;
	s0 =	simm.s32 @!p1 $0x0  }
0x14: {  	s2 =	sld [smem:$0x3F9C];
	s0 =	simm.s32 @p1 $0x1  }
0x15: {  	[smem:$0x3FB9] =	sst s0;
	s0 =	simm.s32 @!p2 $0x0  }
0x16: {  	s3 =	sld [smem:$0x3FDB];
	s0 =	simm.s32 @p2 $0x1  }
0x17: {  	s4 =	simm.s32 $0x1BF5;
	[smem:$0x3FBB] =	sst s0  }
0x18: {  	s0 =	sld [smem:$0x3F9E];
	_ =	swait.ge [sflag:s4], $0x0  }
0x19: {  	s7 =	sld [smem:$0x3F9F]  }
0x1a: {  	s8 =	sadd.s32 $0xFFFFE003, lr  }
0x1b: {  	s9 =	sadd.s32 $0xFFFFFEF7, lr;
	s5 =	simm.s32 $0xFFFFFFFF;
	p2 =	slt.u32 s8, $0xFFFFF086  }
0x1c: {  	p1 =	slt.u32 s9, $0xF7A;
	s5 =	simm.s32 @!p2 $0x0  }
0x1d: {  	s5 =	simm.s32 @p1 $0x1;
	p0 =	seq.s32 s7, s2  }
0x1e: {  	s7 =	smul.u32 @!p0 $0xF7A, s2;
	p2 =	seq.s32 @!p0 s5, $0x0  }
0x1f: {  	s9 =	smul.u32 $0xF7A, s1;
	s8 =	simm.s32 @!p0 $0x1BF5;
	p2 =	por !p2, p0  }
0x20: {  	[sflag:s8] =	ssyncset.s32 @!p0 $0xFFFFF086;
	s6 =	sadd.s32 @!p0 s3, s7;
	s7 =	simm.s32 @!p0 $0x108  }
0x21: {  	s3 =	sadd.s32 s3, s9;
	s6 =	sadd.s32 @!p0 $0x88, s6;
	s7 =	simm.s32 @p2 $0x1082  }
0x22: {  	[simem:s7], [sflag:s8] =	dma.local @!p0 [hbm:s6], $0xF7A  }
0x23: {  	s9 =	sor.u32 $0xD0000000, s2;
	s6 =	simm.s32 $0x108;
	_ =	swait.ge @!p0 [sflag:s8], $0x0  }
0x24: {  	s3 =	sadd.s32 $0x88, s3;
	s6 =	simm.s32 @!p1 $0x1082;
	[sflag:s4] =	ssyncset.s32 $0xFFFFF086  }
0x25: {  	[simem:s6], [sflag:s4] =	dma.local [hbm:s3], $0xF7A  }
0x26: {  	[smem:$0x3F9F] =	sst s1;
	(tag) =	ssettag s2;
	_ =	strace s9  }
0x27: {  	s1 =	sld [smem:$0x3FAF]  }
0x28: {  	s2 =	sld [smem:$0x3FB0]  }
0x29: {  	s4 =	sld [smem:$0x3FB2]  }
0x2a: {  	p0 =	seq.s32 s5, $0x0;
	s5 =	sld [smem:$0x3FB3]  }
0x2b: {  	s6 =	sld [smem:$0x3FB4]  }
0x2c: {  	s7 =	sld [smem:$0x3FB5]  }
0x2d: {  	s3 =	simm.s32 $0x108;
	s8 =	sld [smem:$0x3FB6]  }
0x2e: {  	s3 =	simm.s32 @!p0 $0x1082;
	s9 =	sld [smem:$0x3FB7]  }
0x2f: {  	lr =	sadd.s32 s0, s3;
	s0 =	sld [smem:$0x3FAE]  }
0x30: {  	s3 =	sld [smem:$0x3FB1]  }
0x31: {  	[smem:$0x3FBA] =	sst s10  }
0x32: {  	s10 =	sld [smem:$0x3FB8];
	_ =	sdelay $0x3  }
0x33: {  	p0 =	seq.s32 s10, $0x1;
	s10 =	sld [smem:$0x3FBA];
	_ =	sdelay $0x3  }
0x34: {  	[smem:$0x3FBA] =	sst s10  }
0x35: {  	s10 =	sld [smem:$0x3FB9];
	_ =	sdelay $0x3  }
0x36: {  	p1 =	seq.s32 s10, $0x1;
	s10 =	sld [smem:$0x3FBA];
	_ =	sdelay $0x3  }
0x37: {  	[smem:$0x3FBA] =	sst s10  }
0x38: {  	s10 =	sld [smem:$0x3FBB]  }
0x39: {  	_ = 	snop;
	(pc) =	sbr.ind lr, $3  }
0x3a: {  	_ = 	snop  }
0x3b: {  	_ = 	snop  }
0x3c: {  	p2 =	seq.s32 s10, $0x1;
	s10 =	sld [smem:$0x3FBA]  }
0x3d: {  	_ =	shalt  }
0x3e: {  	_ =	shalt  }
0x3f: {  	_ =	shalt  }
0x40: {  	_ =	shalt  }
0x41: {  	_ =	shalt  }
0x42: {  	_ =	shalt  }
0x43: {  	_ =	shalt  }
0x44: {  	_ =	shalt  }
0x45: {  	_ =	shalt  }
0x46: {  	_ =	shalt  }
0x47: {  	_ =	shalt  }
0x48: {  	_ =	shalt  }
0x49: {  	_ =	shalt  }
0x4a: {  	_ =	shalt  }
0x4b: {  	_ =	shalt  }
0x4c: {  	_ =	shalt  }
0x4d: {  	_ =	shalt  }
0x4e: {  	_ =	shalt  }
0x4f: {  	_ =	shalt  }
0x50: {  	_ =	shalt  }
0x51: {  	_ =	shalt  }
0x52: {  	_ =	shalt  }
0x53: {  	_ =	shalt  }
0x54: {  	_ =	shalt  }
0x55: {  	_ =	shalt  }
0x56: {  	_ =	shalt  }
0x57: {  	_ =	shalt  }
0x58: {  	_ =	shalt  }
0x59: {  	_ =	shalt  }
0x5a: {  	_ =	shalt  }
0x5b: {  	_ =	shalt  }
0x5c: {  	_ =	shalt  }
0x5d: {  	_ =	shalt  }
0x5e: {  	_ =	shalt  }
0x5f: {  	_ =	shalt  }
0x60: {  	_ =	shalt  }
0x61: {  	_ =	shalt  }
0x62: {  	_ =	shalt  }
0x63: {  	_ =	shalt  }
0x64: {  	_ =	shalt  }
0x65: {  	_ =	shalt  }
0x66: {  	_ =	shalt  }
0x67: {  	_ =	shalt  }
0x68: {  	_ =	shalt  }
0x69: {  	_ =	shalt  }
0x6a: {  	_ =	shalt  }
0x6b: {  	_ =	shalt  }
0x6c: {  	_ =	shalt  }
0x6d: {  	_ =	shalt  }
0x6e: {  	_ =	shalt  }
0x6f: {  	_ =	shalt  }
0x70: {  	_ =	shalt  }
0x71: {  	_ =	shalt  }
0x72: {  	_ =	shalt  }
0x73: {  	_ =	shalt  }
0x74: {  	_ =	shalt  }
0x75: {  	_ =	shalt  }
0x76: {  	_ =	shalt  }
0x77: {  	_ =	shalt  }
0x78: {  	_ =	shalt  }
0x79: {  	_ =	shalt  }
0x7a: {  	_ =	shalt  }
0x7b: {  	_ =	shalt  }
0x7c: {  	_ =	shalt  }
0x7d: {  	_ =	shalt  }
0x7e: {  	_ =	shalt  }
0x7f: {  	_ =	shalt  }
0x80: {  	_ =	shalt  }
0x81: {  	_ =	shalt  }
0x82: {  	_ =	shalt  }
0x83: {  	_ =	shalt  }
0x84: {  	_ =	shalt  }
0x85: {  	_ =	shalt  }
0x86: {  	_ =	shalt  }
0x87: {  	_ =	shalt  }
.Lfunc_end0:
.L_simem_size_0:
called_computation_lowered:
.L_overlay_start_0:
0x88: {  	s2 =	sld [smem:$0x3FD9]  }
0x89: {  	s3 =	sld [smem:$0x3FFE];
	_ =	sdelay $0x1  }
0x8a: {  	s1 =	srdreg.scid  }
0x8b: {  	s0 =	sand.u32 $0x1, s1  }
0x8c: {  	s17 =	sshll.u32 s0, $0xA;
	s2 =	sadd.s32 s3, s2  }
0x8d: {  	s2 =	sadd.s32 s2, s17  }
0x8e: {  	[smem:$0x3FC6] =	sst s2  }
0x8f: {  	_ = 	snop  }
0x90: {  	s2 =	sld [smem:$0x3FC9]  }
0x91: {  	s18 =	sld [smem:$0x3FC8];
	(tm) =	ssettm $0x1  }
0x92: {  	s4 =	sld [smem:$0x3FFB];
	_ =	sdelay $0x3  }
0x93: {  	_ =	strace s4  }
0x94: {  	s4 =	sld [smem:$0x3FFC];
	_ =	sdelay $0x3  }
0x95: {  	_ =	strace s4  }
0x96: {  	s4 =	sld [smem:$0x3FFD];
	_ =	sdelay $0x3  }
0x97: {  	_ =	strace s4  }
0x98: {  	_ =	strace $0x8FFFFFFF  }
0x99: {  	s19 =	sld [smem:$0x3FDB];
	_ =	sdelay $0x1  }
0x9a: {  	s5 =	simm.s32 $_scs_section_size  }
0x9b: {  	s6 =	simm.s32 $_size__tile_overlayer_lowered;
	s7 =	simm.s32 $_tile_overlayer_lowered  }
0x9c: {  	s22 =	simm.s32 $0x1BFF;
	s21 =	sshll.u32 s7, $0x1;
	s4 =	sadd.s32 s5, s19  }
0x9d: {  	s8 =	simm.s32 $0x0;
	s20 =	sshll.u32 s6, $0x1;
	s6 =	sadd.s32 s21, s4  }
0x9e: {  	[timem:s8], [sflag:s22] =	dma.local [hbm:s6], s20  }
0x9f: {  	_ =	swait.ge [sflag:s22], s20  }
0xa0: {  	s5 =	ssub.s32 $0x0, s20;
	[sflag:s22] =	ssyncset.done $0x0  }
0xa1: {  	[sflag:s22] =	ssyncadd.s32 s5;
	_ =	sdelay $0x1  }
0xa2: {  	s23 =	simm.s32 $0x1B8B  }
0xa3: {  	_ =	swait.ge [sflag:s23], $0x1  }
0xa4: {  	[sflag:s23] =	ssyncset.done $0x0  }
0xa5: {  	s25 =	simm.s32 $0x1B8E;
	s24 =	sld [smem:$0x3FFE];
	[sflag:s23] =	ssyncadd.s32 $0xFFFFFFFF  }
0xa6: {  	s26 =	simm.s32 $execute0_lowered;
	[smem:$0x3FD2] =	sst s25  }
0xa7: {  	s6 =	sshll.u32 s26, $0x1;
	_ =	strace $0x80000046;
	[dreg:$0x1] =	wrdreg $0xFFFFFFFF  }
0xa8: {  	s28 =	simm.s32 $_size_execute0_lowered;
	s4 =	sadd.s32 s4, s6;
	[dreg:$0x0] =	wrdreg $0x0  }
0xa9: {  	s6 =	sshll.u32 s28, $0x1;
	[dreg:$0x2] =	wrdreg s4  }
0xaa: {  	[dreg:$0x3] =	wrdreg s6  }
0xab: {  	[dreg:$0x4] =	wrdreg $0xC0  }
0xac: {  	_ =	task [dreg:s8], $0x5FFFF  }
0xad: {  	[dreg:$0x1] =	wrdreg $0xFFFFFFFF  }
0xae: {  	[dreg:$0x0] =	wrdreg $0x60  }
0xaf: {  	[dreg:$0x2] =	wrdreg s2  }
0xb0: {  	[dreg:$0x3] =	wrdreg s18  }
0xb1: {  	[dreg:$0x4] =	wrdreg s24  }
0xb2: {  	[dreg:$0x5] =	wrdreg $0x9  }
0xb3: {  	_ =	task.clear_ibuf [dreg:s8], $0x6FFFF;
	_ =	strace $0x90000046  }
0xb4: {  	s29 =	simm.s32 $0x9;
	_ =	strace $0x80000048  }
0xb5: {  	_ =	swait.ge [sflag:s29], $0x1  }
0xb6: {  	[sflag:s29] =	ssyncadd.s32 $0xFFFFFFFF  }
0xb7: {  	_ =	strace $0x90000048  }
0xb8: {  	_ =	sfence  }
0xb9: {  	s30 =	sld [smem:$0x0];
	_ =	sdelay $0x2  }
0xba: {  	s31 =	sshll.u32 s1, $0xD;
	s1 =	sshrl.u32 s1, $0x2  }
0xbb: {  	s3 =	sand.u32 $0x4000, s31;
	s1 =	sadd.s32 s1, s30  }
0xbc: {  	s0 =	sor.u32 s3, s0;
	s1 =	sshll.u32 s1, $0x11  }
0xbd: {  	s0 =	sor.u32 s1, s0  }
0xbe: {  	s0 =	sadd.s32 $0x8F2B, s0  }
0xbf: {  	[sflag:s0] =	ssyncadd.remote.s32 $0x1  }
0xc0: {  	_ =	sfence.sel $0xFFFF  }
0xc1: {  	[dreg:$0x0] =	wrdreg $0xFFFFFFFF;
	(pc) =	sbr.abs _section_cstart, $3  }
0xc2: {  	[dreg:$0x1] =	wrdreg $0xFFFFFFFF  }
0xc3: {  	_ =	task.clear_ibuf [dreg:s8], $0x2FFFF;
	_ =	strace $0x9FFFFFFF  }
0xc4: {  	(tm) =	ssettm $0x7FFFFFFF  }
0xc5: {  	_ =	shalt  }
tec
execute0_lowered:
.L_overlay_start_1:
0x0: {  	(tag) =	ssettag $0x1  }
0x1: {  	s12 =	rddreg [dreg:$0x0]  }
0x2: {  	s13 =	rddreg [dreg:$0x1]  }
0x3: {  	s15 =	rddreg [dreg:$0x2]  }
0x4: {  	s2 =	srdreg.scid;
	s1 =	stileid.u32  }
0x5: {  	s0 =	rddreg [dreg:$0x3];
	s18 =	simm.s32 $0x8000;
	s19 =	simm.s32 $0xC000  }
0x6: {  	s20 =	simm.s32 $0x10000;
	s21 =	simm.s32 $0x14000;
	s22 =	simm.s32 $0x1  }
0x7: {  	s23 =	simm.s32 $0x2;
	s24 =	simm.s32 $0x18000;
	s25 =	simm.s32 $0x3  }
0x8: {  	s26 =	simm.s32 $0x0;
	s3 =	sand.u32 $0x1, s2;
	s4 =	sshll.u32 s1, $0x1  }
0x9: {  	s2 =	simm.s32 $0x0;
	s5 =	ssub.s32 $0x2, s3;
	s16 =	sor.u32 s3, s4  }
0xa: {  	[smem:$0x7FF] =	sst s2;
	s31 =	sshrl.u32 s5, $0x1;
	s10 =	sshll.u32 s16, $0xD  }
0xb: {  	_ =	strace $0x80000047;
	s16 =	sshll.u32 s16, $0x4;
	s17 =	ssub.s32 s5, s31  }
0xc: {  	s3 =	sadd.s32 s13, s10;
	s4 =	sadd.s32 s12, s10;
	s7 =	sor.u32 $0x800, s10  }
0xd: {  	s11 =	sor.u32 $0x1000, s10;
	s14 =	sor.u32 $0x1800, s10;
	s15 =	sadd.s32 s15, s16  }
0xe: {  	s5 =	sadd.s32 $0x40000, s3;
	s6 =	sadd.s32 s12, s7;
	s7 =	sadd.s32 s13, s7  }
0xf: {  	s8 =	sadd.s32 $0x40800, s3;
	s9 =	sadd.s32 s12, s11;
	s10 =	sadd.s32 s13, s11  }
0x10: {  	s11 =	sadd.s32 $0x41000, s3;
	s12 =	sadd.s32 s12, s14;
	s13 =	sadd.s32 s13, s14  }
0x11: {  	v0 =	vimm.f32 $0.0e+00;
	s14 =	sadd.s32 $0x41800, s3;
	s16 =	smax.u32 s17, $0x1;
	s17 =	simm.s32 $0x4000  }
.LBB2_1:
0x12: {  	[tilespmem:s2], [sflag:$0x1] =	stream.linear.gather [hbm4b:s4+s2], $0x4000, $0x38;
	[tilespmem:$0x18080] =	vst v63  }
0x13: {  	_ = 	snop  }
0x14: {  	[tilespmem:s17], [sflag:$0x1] =	stream.linear.gather [hbm4b:s3+s2], $0x4000, $0x38;
	[tilespmem:$0x18080] =	vst v63  }
0x15: {  	_ = 	snop  }
0x16: {  	[tilespmem:s18], [sflag:$0x1] =	stream.linear.gather [hbm4b:s5+s2], $0x4000, $0x38;
	[tilespmem:$0x18080] =	vst v63  }
0x17: {  	_ = 	snop  }
0x18: {  	[tilespmem:s19], [sflag:$0x2] =	stream.linear.gather [hbm4b:s6+s2], $0x4000, $0x38;
	[tilespmem:$0x18080] =	vst v63  }
0x19: {  	_ = 	snop  }
0x1a: {  	[tilespmem:s20], [sflag:$0x2] =	stream.linear.gather [hbm4b:s7+s2], $0x4000, $0x38;
	[tilespmem:$0x18080] =	vst v63  }
0x1b: {  	_ = 	snop  }
0x1c: {  	[tilespmem:s21], [sflag:$0x2] =	stream.linear.gather [hbm4b:s8+s2], $0x4000, $0x38;
	[tilespmem:$0x18080] =	vst v63  }
0x1d: {  	_ =	swait.ge [sflag:s22], $0x4000  }
0x1e: {  	[sflag:s22] =	ssyncset.done $0x0  }
0x1f: {  	[sflag:s22] =	ssyncadd.s32 $0xFFFFC000  }
0x20: {  	_ =	swait.ge [sflag:s22], $0x4000  }
0x21: {  	[sflag:s22] =	ssyncset.done $0x0  }
0x22: {  	[sflag:s22] =	ssyncadd.s32 $0xFFFFC000  }
0x23: {  	_ =	swait.ge [sflag:s22], $0x4000  }
0x24: {  	[sflag:s22] =	ssyncset.done $0x0  }
0x25: {  	s29 =	simm.s32 $0x0;
	[sflag:s22] =	ssyncadd.s32 $0xFFFFC000  }
0x26: {  	v1 =	vld [tilespmem:s29+$0x30]  }
0x27: {  	v2 =	vld [tilespmem:s29+$0x4030]  }
0x28: {  	v3 =	vld [tilespmem:s29+$0x0]  }
0x29: {  	v4 =	vld [tilespmem:s29+$0x8030]  }
0x2a: {  	v5 =	vld [tilespmem:s29+$0x4000]  }
0x2b: {  	v6 =	vld [tilespmem:s29+$0x10]  }
0x2c: {  	v7 =	vld [tilespmem:s29+$0x4010];
	_ =	sdelay $0x2  }
0x2d: {  	v8 =	vimm.f32 $0.0e+00;
	v9 =	vld [tilespmem:s29+$0x20]  }
0x2e: {  	v10 =	vld [tilespmem:s29+$0x4020];
	v1 =	vsub.f32 v1, v2;
	vm0 =	vgt.f32 v4, $0.0e+00;
	v3 =	vsub.f32 v3, v5  }
0x2f: {  	v11 =	vld [tilespmem:s29+$0x8000];
	v16 =	vsub.f32 v6, v7;
	v6 =	vimm.f32 $0.0e+00;
	v7 =	vimm.f32 $0.0e+00  }
0x30: {  	v12 =	vld [tilespmem:s29+$0x8010];
	v5 =	vimm.f32 $0.0e+00;
	v4 =	vsel vm0, $0x3F800000, v0;
	v1 =	vand.u32 $0x7FFFFFFF, v1  }
0x31: {  	s28 =	simm.s32 $0x40;
	v15 =	vld [tilespmem:s29+$0x8020];
	v13 =	vand.u32 $0x7FFFFFFF, v3;
	v3 =	vimm.f32 $0.0e+00;
	v1 =	vnsel vm0, $0x0, v1  }
0x32: {  	v14 =	vld [tilespmem:s28+$0x30];
	s29 =	simm.s32 $0x200;
	v2 =	vadd.f32 v1, v0;
	v1 =	vadd.f32 v4, v0;
	v4 =	vimm.f32 $0.0e+00  }
.LBB2_2:
0x33: {  	p0 =	sne.s32 s29, $0xFF00;
	v17 =	vld [tilespmem:s28+$0x4030];
	v16 =	vand.u32 $0x7FFFFFFF, v16;
	v9 =	vsub.f32 v9, v10  }
0x34: {  	v18 =	vld [tilespmem:s28+$0x0];
	vm0 =	vgt.f32 v11, $0.0e+00  }
0x35: {  	v11 =	vld [tilespmem:s28+$0x8030];
	v10 =	vnsel vm0, $0x0, v13;
	vm1 =	vgt.f32 v12, $0.0e+00;
	v9 =	vand.u32 $0x7FFFFFFF, v9  }
0x36: {  	v13 =	vsel vm0, $0x3F800000, v0;
	v12 =	vld [tilespmem:s28+$0x4000];
	v16 =	vnsel vm1, $0x0, v16;
	vm0 =	vgt.f32 v15, $0.0e+00  }
0x37: {  	v19 =	vsel vm1, $0x3F800000, v0;
	v15 =	vld [tilespmem:s28+$0x10];
	v20 =	vnsel vm0, $0x0, v9;
	v21 =	vsel vm0, $0x3F800000, v0  }
0x38: {  	v8 =	vadd.f32 v10, v8;
	v22 =	vld [tilespmem:s28+$0x4010];
	v14 =	vsub.f32 v14, v17  }
0x39: {  	v6 =	vadd.f32 v16, v6;
	v7 =	vadd.f32 v20, v7;
	v9 =	vld [tilespmem:s28+$0x20]  }
.Ltmp0:
0x3a: {  	v5 =	vadd.f32 v13, v5;
	v10 =	vld [tilespmem:s28+$0x4020];
	vm0 =	vgt.f32 v11, $0.0e+00;
	v14 =	vand.u32 $0x7FFFFFFF, v14;
	(pc) =	sbr.rel @p0 .LBB2_2-.Ltmp0, $4  }
0x3b: {  	v11 =	vld [tilespmem:s28+$0x8000];
	v13 =	vsub.f32 v18, v12;
	v14 =	vnsel vm0, $0x0, v14;
	v17 =	vsel vm0, $0x3F800000, v0  }
0x3c: {  	v4 =	vadd.f32 v19, v4;
	v12 =	vld [tilespmem:s28+$0x8010];
	v2 =	vadd.f32 v14, v2  }
0x3d: {  	v3 =	vadd.f32 v21, v3;
	v13 =	vand.u32 $0x7FFFFFFF, v13;
	v16 =	vsub.f32 v15, v22;
	v15 =	vld [tilespmem:s28+$0x8020];
	s28 =	sshra.s32 s29, $0x2  }
0x3e: {  	v1 =	vadd.f32 v17, v1;
	s29 =	sadd.s32 $0x100, s29;
	v14 =	vld [tilespmem:s28+$0x30]  }
0x3f: {  	v17 =	vld [tilespmem:s28+$0x4030]  }
0x40: {  	v18 =	vld [tilespmem:s28+$0x0]  }
0x41: {  	v19 =	vld [tilespmem:s28+$0x8030]  }
0x42: {  	v20 =	vld [tilespmem:s28+$0x4000]  }
0x43: {  	v21 =	vld [tilespmem:s28+$0x10]  }
0x44: {  	v22 =	vld [tilespmem:s28+$0x4010]  }
0x45: {  	v23 =	vld [tilespmem:s28+$0x20]  }
0x46: {  	v24 =	vld [tilespmem:s28+$0x4020]  }
0x47: {  	v25 =	vld [tilespmem:s28+$0x8000]  }
0x48: {  	v26 =	vld [tilespmem:s28+$0x8010]  }
0x49: {  	v27 =	vld [tilespmem:s28+$0x8020];
	s28 =	simm.s32 $0x0  }
0x4a: {  	[tilespmem:s28], [sflag:$0x1] =	stream.linear.gather [hbm4b:s9+s28], $0x4000, $0x38;
	[tilespmem:$0x18080] =	vst v63  }
0x4b: {  	_ = 	snop  }
0x4c: {  	[tilespmem:s17], [sflag:$0x1] =	stream.linear.gather [hbm4b:s10+s28], $0x4000, $0x38;
	[tilespmem:$0x18080] =	vst v63  }
0x4d: {  	_ = 	snop  }
0x4e: {  	[tilespmem:s18], [sflag:$0x1] =	stream.linear.gather [hbm4b:s11+s28], $0x4000, $0x38;
	[tilespmem:$0x18080] =	vst v63  }
0x4f: {  	_ =	swait.ge [sflag:s23], $0x4000  }
0x50: {  	[sflag:s23] =	ssyncset.done $0x0  }
0x51: {  	[sflag:s23] =	ssyncadd.s32 $0xFFFFC000  }
0x52: {  	_ =	swait.ge [sflag:s23], $0x4000  }
0x53: {  	v9 =	vsub.f32 v9, v10;
	vm0 =	vgt.f32 v11, $0.0e+00;
	[sflag:s23] =	ssyncset.done $0x0  }
0x54: {  	v11 =	vand.u32 $0x7FFFFFFF, v16;
	vm1 =	vgt.f32 v12, $0.0e+00;
	v12 =	vnsel vm0, $0x0, v13;
	[sflag:s23] =	ssyncadd.s32 $0xFFFFC000  }
0x55: {  	v9 =	vand.u32 $0x7FFFFFFF, v9;
	vm2 =	vgt.f32 v15, $0.0e+00;
	v10 =	vsub.f32 v14, v17;
	_ =	swait.ge [sflag:s23], $0x4000  }
0x56: {  	v8 =	vadd.f32 v12, v8;
	v11 =	vnsel vm1, $0x0, v11;
	v12 =	vsel vm0, $0x3F800000, v0;
	[sflag:s23] =	ssyncset.done $0x0  }
0x57: {  	s29 =	simm.s32 $0x0;
	v9 =	vnsel vm2, $0x0, v9;
	vm11 =	vgt.f32 v19, $0.0e+00;
	v10 =	vand.u32 $0x7FFFFFFF, v10;
	[sflag:s23] =	ssyncadd.s32 $0xFFFFC000  }
0x58: {  	v6 =	vadd.f32 v11, v6;
	v5 =	vadd.f32 v12, v5;
	v10 =	vnsel vm11, $0x0, v10;
	v12 =	vld [tilespmem:s29+$0xC030]  }
0x59: {  	v13 =	vsel vm2, $0x3F800000, v0;
	v11 =	vsub.f32 v18, v20;
	v15 =	vadd.f32 v10, v2;
	v2 =	vld [tilespmem:s29+$0x10030]  }
0x5a: {  	v7 =	vadd.f32 v9, v7;
	v9 =	vsel vm1, $0x3F800000, v0;
	v13 =	vadd.f32 v13, v3;
	v16 =	vld [tilespmem:s29+$0xC000]  }
0x5b: {  	v14 =	vsel vm11, $0x3F800000, v0;
	v4 =	vadd.f32 v9, v4;
	v9 =	vand.u32 $0x7FFFFFFF, v11;
	v11 =	vld [tilespmem:s29+$0x14030]  }
0x5c: {  	v3 =	vsub.f32 v23, v24;
	vm12 =	vgt.f32 v25, $0.0e+00;
	v17 =	vadd.f32 v14, v1;
	v14 =	vld [tilespmem:s29+$0x10000]  }
0x5d: {  	vm13 =	vgt.f32 v26, $0.0e+00;
	vm14 =	vgt.f32 v27, $0.0e+00;
	v18 =	vsel vm12, $0x3F800000, v0;
	v19 =	vld [tilespmem:s29+$0xC010]  }
0x5e: {  	v61 =	vsel vm13, $0x3F800000, v0;
	v3 =	vand.u32 $0x7FFFFFFF, v3;
	v10 =	vsub.f32 v21, v22;
	v62 =	vld [tilespmem:s29+$0x10010]  }
0x5f: {  	v63 =	vsel vm14, $0x3F800000, v0;
	v9 =	vnsel vm12, $0x0, v9;
	v3 =	vnsel vm14, $0x0, v3  }
0x60: {  	v8 =	vadd.f32 v9, v8;
	v7 =	vadd.f32 v3, v7;
	v1 =	vand.u32 $0x7FFFFFFF, v10;
	v9 =	vld [tilespmem:s29+$0xC020]  }
0x61: {  	v3 =	vadd.f32 v18, v5;
	v1 =	vnsel vm13, $0x0, v1;
	v10 =	vld [tilespmem:s29+$0x10020];
	v2 =	vsub.f32 v12, v2  }
0x62: {  	v6 =	vadd.f32 v1, v6;
	v1 =	vadd.f32 v61, v4;
	vm15 =	vgt.f32 v11, $0.0e+00;
	v11 =	vld [tilespmem:s29+$0x14000]  }
0x63: {  	v4 =	vsub.f32 v16, v14;
	v12 =	vld [tilespmem:s29+$0x14010];
	v16 =	vsub.f32 v19, v62;
	v2 =	vand.u32 $0x7FFFFFFF, v2  }
0x64: {  	s28 =	simm.s32 $0x40;
	v14 =	vld [tilespmem:s29+$0x14020];
	v18 =	vsel vm15, $0x3F800000, v0;
	v5 =	vnsel vm15, $0x0, v2;
	v2 =	vadd.f32 v63, v13  }
0x65: {  	s29 =	simm.s32 $0x200;
	v13 =	vld [tilespmem:s28+$0xC030];
	v5 =	vadd.f32 v5, v15;
	v15 =	vand.u32 $0x7FFFFFFF, v4;
	v4 =	vadd.f32 v18, v17  }
.LBB2_4:
0x66: {  	p0 =	sne.s32 s29, $0xFF00;
	v17 =	vld [tilespmem:s28+$0x10030];
	v16 =	vand.u32 $0x7FFFFFFF, v16;
	v9 =	vsub.f32 v9, v10  }
0x67: {  	v18 =	vld [tilespmem:s28+$0xC000];
	vm0 =	vgt.f32 v11, $0.0e+00  }
0x68: {  	v11 =	vld [tilespmem:s28+$0x14030];
	v10 =	vnsel vm0, $0x0, v15;
	vm1 =	vgt.f32 v12, $0.0e+00;
	v9 =	vand.u32 $0x7FFFFFFF, v9  }
0x69: {  	v15 =	vsel vm0, $0x3F800000, v0;
	v12 =	vld [tilespmem:s28+$0x10000];
	v16 =	vnsel vm1, $0x0, v16;
	vm0 =	vgt.f32 v14, $0.0e+00  }
0x6a: {  	v19 =	vsel vm1, $0x3F800000, v0;
	v14 =	vld [tilespmem:s28+$0xC010];
	v20 =	vnsel vm0, $0x0, v9;
	v21 =	vsel vm0, $0x3F800000, v0  }
0x6b: {  	v8 =	vadd.f32 v10, v8;
	v22 =	vld [tilespmem:s28+$0x10010];
	v13 =	vsub.f32 v13, v17  }
0x6c: {  	v6 =	vadd.f32 v16, v6;
	v7 =	vadd.f32 v20, v7;
	v9 =	vld [tilespmem:s28+$0xC020]  }
.Ltmp1:
0x6d: {  	v3 =	vadd.f32 v15, v3;
	v10 =	vld [tilespmem:s28+$0x10020];
	vm0 =	vgt.f32 v11, $0.0e+00;
	v13 =	vand.u32 $0x7FFFFFFF, v13;
	(pc) =	sbr.rel @p0 .LBB2_4-.Ltmp1, $4  }
0x6e: {  	v11 =	vld [tilespmem:s28+$0x14000];
	v15 =	vsub.f32 v18, v12;
	v13 =	vnsel vm0, $0x0, v13;
	v17 =	vsel vm0, $0x3F800000, v0  }
0x6f: {  	v1 =	vadd.f32 v19, v1;
	v12 =	vld [tilespmem:s28+$0x14010];
	v5 =	vadd.f32 v13, v5  }
0x70: {  	v2 =	vadd.f32 v21, v2;
	v15 =	vand.u32 $0x7FFFFFFF, v15;
	v16 =	vsub.f32 v14, v22;
	v14 =	vld [tilespmem:s28+$0x14020];
	s28 =	sshra.s32 s29, $0x2  }
0x71: {  	v4 =	vadd.f32 v17, v4;
	s29 =	sadd.s32 $0x100, s29;
	v13 =	vld [tilespmem:s28+$0xC030]  }
0x72: {  	v17 =	vld [tilespmem:s28+$0x10030]  }
0x73: {  	v18 =	vld [tilespmem:s28+$0xC000]  }
0x74: {  	v19 =	vld [tilespmem:s28+$0x14030]  }
0x75: {  	v20 =	vld [tilespmem:s28+$0x10000]  }
0x76: {  	v21 =	vld [tilespmem:s28+$0xC010]  }
0x77: {  	v22 =	vld [tilespmem:s28+$0x10010]  }
0x78: {  	v23 =	vld [tilespmem:s28+$0xC020]  }
0x79: {  	v24 =	vld [tilespmem:s28+$0x10020]  }
0x7a: {  	v25 =	vld [tilespmem:s28+$0x14000]  }
0x7b: {  	v26 =	vld [tilespmem:s28+$0x14010]  }
0x7c: {  	v27 =	vld [tilespmem:s28+$0x14020];
	s28 =	simm.s32 $0x0  }
0x7d: {  	[tilespmem:s19], [sflag:$0x2] =	stream.linear.gather [hbm4b:s12+s28], $0x4000, $0x38;
	[tilespmem:$0x18080] =	vst v63  }
0x7e: {  	_ = 	snop  }
0x7f: {  	[tilespmem:s20], [sflag:$0x2] =	stream.linear.gather [hbm4b:s13+s28], $0x4000, $0x38;
	[tilespmem:$0x18080] =	vst v63  }
0x80: {  	_ = 	snop  }
0x81: {  	[tilespmem:s21], [sflag:$0x2] =	stream.linear.gather [hbm4b:s14+s28], $0x4000, $0x38;
	[tilespmem:$0x18080] =	vst v63  }
0x82: {  	_ =	swait.ge [sflag:s22], $0x4000  }
0x83: {  	[sflag:s22] =	ssyncset.done $0x0  }
0x84: {  	[sflag:s22] =	ssyncadd.s32 $0xFFFFC000  }
0x85: {  	v9 =	vsub.f32 v9, v10;
	vm0 =	vgt.f32 v11, $0.0e+00;
	_ =	swait.ge [sflag:s22], $0x4000  }
0x86: {  	v11 =	vand.u32 $0x7FFFFFFF, v16;
	vm1 =	vgt.f32 v12, $0.0e+00;
	v12 =	vnsel vm0, $0x0, v15;
	[sflag:s22] =	ssyncset.done $0x0  }
0x87: {  	v9 =	vand.u32 $0x7FFFFFFF, v9;
	vm2 =	vgt.f32 v14, $0.0e+00;
	v8 =	vadd.f32 v12, v8;
	[sflag:s22] =	ssyncadd.s32 $0xFFFFC000  }
0x88: {  	v11 =	vnsel vm1, $0x0, v11;
	v12 =	vsel vm0, $0x3F800000, v0;
	v10 =	vsub.f32 v13, v17;
	_ =	swait.ge [sflag:s22], $0x4000  }
0x89: {  	v9 =	vnsel vm2, $0x0, v9;
	v6 =	vadd.f32 v11, v6;
	v3 =	vadd.f32 v12, v3;
	[sflag:s22] =	ssyncset.done $0x0  }
0x8a: {  	s29 =	simm.s32 $0x0;
	v7 =	vadd.f32 v9, v7;
	vm11 =	vgt.f32 v19, $0.0e+00;
	v10 =	vand.u32 $0x7FFFFFFF, v10;
	[sflag:s22] =	ssyncadd.s32 $0xFFFFC000  }
0x8b: {  	v9 =	vsel vm1, $0x3F800000, v0;
	v11 =	vsub.f32 v18, v20;
	v10 =	vnsel vm11, $0x0, v10;
	v12 =	vld [tilespmem:s29+$0x30]  }
0x8c: {  	v13 =	vsel vm2, $0x3F800000, v0;
	vm12 =	vgt.f32 v25, $0.0e+00;
	v5 =	vadd.f32 v10, v5;
	v10 =	vld [tilespmem:s29+$0x4030]  }
0x8d: {  	vm13 =	vgt.f32 v26, $0.0e+00;
	vm14 =	vgt.f32 v27, $0.0e+00;
	v1 =	vadd.f32 v9, v1;
	v15 =	vld [tilespmem:s29+$0x0]  }
0x8e: {  	v14 =	vsel vm11, $0x3F800000, v0;
	v2 =	vadd.f32 v13, v2;
	v13 =	vsub.f32 v23, v24;
	v16 =	vld [tilespmem:s29+$0x8030]  }
0x8f: {  	v17 =	vsel vm12, $0x3F800000, v0;
	v19 =	vsel vm13, $0x3F800000, v0;
	v4 =	vadd.f32 v14, v4;
	v14 =	vld [tilespmem:s29+$0x4000]  }
0x90: {  	v63 =	vsel vm14, $0x3F800000, v0;
	v9 =	vand.u32 $0x7FFFFFFF, v11;
	v11 =	vsub.f32 v21, v22;
	v18 =	vld [tilespmem:s29+$0x10]  }
0x91: {  	v3 =	vadd.f32 v17, v3;
	v9 =	vnsel vm12, $0x0, v9;
	v13 =	vand.u32 $0x7FFFFFFF, v13;
	v62 =	vld [tilespmem:s29+$0x4010]  }
0x92: {  	v11 =	vand.u32 $0x7FFFFFFF, v11;
	v8 =	vadd.f32 v9, v8;
	v9 =	vld [tilespmem:s29+$0x20];
	v12 =	vsub.f32 v12, v10  }
0x93: {  	v1 =	vadd.f32 v19, v1;
	v13 =	vnsel vm14, $0x0, v13;
	v11 =	vnsel vm13, $0x0, v11;
	v10 =	vld [tilespmem:s29+$0x4020]  }
0x94: {  	v6 =	vadd.f32 v11, v6;
	v11 =	vld [tilespmem:s29+$0x8000];
	vm15 =	vgt.f32 v16, $0.0e+00;
	v12 =	vand.u32 $0x7FFFFFFF, v12  }
0x95: {  	v7 =	vadd.f32 v13, v7;
	v13 =	vsub.f32 v15, v14;
	v14 =	vnsel vm15, $0x0, v12;
	v12 =	vld [tilespmem:s29+$0x8010]  }
0x96: {  	s28 =	simm.s32 $0x40;
	v16 =	vsub.f32 v18, v62;
	v17 =	vsel vm15, $0x3F800000, v0;
	v5 =	vadd.f32 v14, v5;
	v14 =	vld [tilespmem:s29+$0x8020]  }
0x97: {  	v2 =	vadd.f32 v63, v2;
	v15 =	vand.u32 $0x7FFFFFFF, v13;
	v13 =	vld [tilespmem:s28+$0x30];
	v4 =	vadd.f32 v17, v4;
	s29 =	simm.s32 $0x200  }
.LBB2_6:
0x98: {  	p0 =	sne.s32 s29, $0xFF00;
	v17 =	vld [tilespmem:s28+$0x4030];
	v16 =	vand.u32 $0x7FFFFFFF, v16;
	v9 =	vsub.f32 v9, v10  }
0x99: {  	v18 =	vld [tilespmem:s28+$0x0];
	vm0 =	vgt.f32 v11, $0.0e+00  }
0x9a: {  	v11 =	vld [tilespmem:s28+$0x8030];
	v10 =	vnsel vm0, $0x0, v15;
	vm1 =	vgt.f32 v12, $0.0e+00;
	v9 =	vand.u32 $0x7FFFFFFF, v9  }
0x9b: {  	v15 =	vsel vm0, $0x3F800000, v0;
	v12 =	vld [tilespmem:s28+$0x4000];
	v16 =	vnsel vm1, $0x0, v16;
	vm0 =	vgt.f32 v14, $0.0e+00  }
0x9c: {  	v19 =	vsel vm1, $0x3F800000, v0;
	v14 =	vld [tilespmem:s28+$0x10];
	v20 =	vnsel vm0, $0x0, v9;
	v21 =	vsel vm0, $0x3F800000, v0  }
0x9d: {  	v8 =	vadd.f32 v10, v8;
	v22 =	vld [tilespmem:s28+$0x4010];
	v13 =	vsub.f32 v13, v17  }
0x9e: {  	v6 =	vadd.f32 v16, v6;
	v7 =	vadd.f32 v20, v7;
	v9 =	vld [tilespmem:s28+$0x20]  }
.Ltmp2:
0x9f: {  	v3 =	vadd.f32 v15, v3;
	v10 =	vld [tilespmem:s28+$0x4020];
	vm0 =	vgt.f32 v11, $0.0e+00;
	v13 =	vand.u32 $0x7FFFFFFF, v13;
	(pc) =	sbr.rel @p0 .LBB2_6-.Ltmp2, $4  }
0xa0: {  	v11 =	vld [tilespmem:s28+$0x8000];
	v15 =	vsub.f32 v18, v12;
	v13 =	vnsel vm0, $0x0, v13;
	v17 =	vsel vm0, $0x3F800000, v0  }
0xa1: {  	v1 =	vadd.f32 v19, v1;
	v12 =	vld [tilespmem:s28+$0x8010];
	v5 =	vadd.f32 v13, v5  }
0xa2: {  	v2 =	vadd.f32 v21, v2;
	v15 =	vand.u32 $0x7FFFFFFF, v15;
	v16 =	vsub.f32 v14, v22;
	v14 =	vld [tilespmem:s28+$0x8020];
	s28 =	sshra.s32 s29, $0x2  }
0xa3: {  	v4 =	vadd.f32 v17, v4;
	s29 =	sadd.s32 $0x100, s29;
	v13 =	vld [tilespmem:s28+$0x30]  }
0xa4: {  	v17 =	vld [tilespmem:s28+$0x4030]  }
0xa5: {  	v18 =	vld [tilespmem:s28+$0x0]  }
0xa6: {  	v19 =	vld [tilespmem:s28+$0x8030]  }
0xa7: {  	v20 =	vld [tilespmem:s28+$0x4000]  }
0xa8: {  	v21 =	vld [tilespmem:s28+$0x10]  }
0xa9: {  	v22 =	vld [tilespmem:s28+$0x4010]  }
0xaa: {  	v23 =	vld [tilespmem:s28+$0x20]  }
0xab: {  	v24 =	vld [tilespmem:s28+$0x4020]  }
0xac: {  	v25 =	vld [tilespmem:s28+$0x8000]  }
0xad: {  	v26 =	vld [tilespmem:s28+$0x8010]  }
0xae: {  	v27 =	vld [tilespmem:s28+$0x8020];
	_ =	swait.ge [sflag:s23], $0x4000  }
0xaf: {  	[sflag:s23] =	ssyncset.done $0x0  }
0xb0: {  	[sflag:s23] =	ssyncadd.s32 $0xFFFFC000  }
0xb1: {  	_ =	swait.ge [sflag:s23], $0x4000  }
0xb2: {  	v9 =	vsub.f32 v9, v10;
	vm0 =	vgt.f32 v11, $0.0e+00;
	[sflag:s23] =	ssyncset.done $0x0  }
0xb3: {  	v11 =	vand.u32 $0x7FFFFFFF, v16;
	vm1 =	vgt.f32 v12, $0.0e+00;
	v12 =	vnsel vm0, $0x0, v15;
	[sflag:s23] =	ssyncadd.s32 $0xFFFFC000  }
0xb4: {  	v9 =	vand.u32 $0x7FFFFFFF, v9;
	vm2 =	vgt.f32 v14, $0.0e+00;
	v10 =	vsub.f32 v13, v17;
	_ =	swait.ge [sflag:s23], $0x4000  }
0xb5: {  	v8 =	vadd.f32 v12, v8;
	v11 =	vnsel vm1, $0x0, v11;
	v12 =	vsel vm0, $0x3F800000, v0;
	[sflag:s23] =	ssyncset.done $0x0  }
0xb6: {  	s29 =	simm.s32 $0x0;
	v9 =	vnsel vm2, $0x0, v9;
	vm11 =	vgt.f32 v19, $0.0e+00;
	v10 =	vand.u32 $0x7FFFFFFF, v10;
	[sflag:s23] =	ssyncadd.s32 $0xFFFFC000  }
0xb7: {  	v6 =	vadd.f32 v11, v6;
	v3 =	vadd.f32 v12, v3;
	v10 =	vnsel vm11, $0x0, v10;
	v12 =	vld [tilespmem:s29+$0xC030]  }
0xb8: {  	v7 =	vadd.f32 v9, v7;
	v9 =	vsel vm1, $0x3F800000, v0;
	v15 =	vadd.f32 v10, v5;
	v10 =	vld [tilespmem:s29+$0x10030]  }
0xb9: {  	v11 =	vsub.f32 v18, v20;
	v13 =	vsel vm2, $0x3F800000, v0;
	vm12 =	vgt.f32 v25, $0.0e+00;
	v16 =	vld [tilespmem:s29+$0xC000]  }
0xba: {  	v14 =	vsel vm11, $0x3F800000, v0;
	v1 =	vadd.f32 v9, v1;
	v2 =	vadd.f32 v13, v2;
	v13 =	vld [tilespmem:s29+$0x14030]  }
0xbb: {  	vm13 =	vgt.f32 v26, $0.0e+00;
	v9 =	vsub.f32 v21, v22;
	v17 =	vadd.f32 v14, v4;
	v14 =	vld [tilespmem:s29+$0x10000]  }
0xbc: {  	vm14 =	vgt.f32 v27, $0.0e+00;
	v5 =	vand.u32 $0x7FFFFFFF, v11;
	v11 =	vsub.f32 v23, v24;
	v18 =	vld [tilespmem:s29+$0xC010]  }
0xbd: {  	v19 =	vsel vm13, $0x3F800000, v0;
	v63 =	vsel vm14, $0x3F800000, v0;
	v4 =	vand.u32 $0x7FFFFFFF, v9;
	v61 =	vld [tilespmem:s29+$0x10010]  }
0xbe: {  	v4 =	vnsel vm13, $0x0, v4;
	v5 =	vnsel vm12, $0x0, v5;
	v9 =	vand.u32 $0x7FFFFFFF, v11  }
0xbf: {  	v5 =	vadd.f32 v5, v8;
	v8 =	vadd.f32 v4, v6;
	v62 =	vnsel vm14, $0x0, v9;
	v9 =	vld [tilespmem:s29+$0xC020]  }
0xc0: {  	v11 =	vsel vm12, $0x3F800000, v0;
	v4 =	vadd.f32 v19, v1;
	v12 =	vsub.f32 v12, v10;
	v10 =	vld [tilespmem:s29+$0x10020]  }
0xc1: {  	v3 =	vadd.f32 v11, v3;
	v11 =	vld [tilespmem:s29+$0x14000];
	v7 =	vadd.f32 v62, v7;
	vm15 =	vgt.f32 v13, $0.0e+00  }
0xc2: {  	v13 =	vld [tilespmem:s29+$0x14010];
	v6 =	vand.u32 $0x7FFFFFFF, v12;
	v12 =	vsub.f32 v16, v14;
	v16 =	vsub.f32 v18, v61  }
0xc3: {  	s28 =	simm.s32 $0x40;
	v14 =	vld [tilespmem:s29+$0x14020];
	v1 =	vnsel vm15, $0x0, v6;
	v6 =	vadd.f32 v63, v2;
	v2 =	vsel vm15, $0x3F800000, v0  }
0xc4: {  	s29 =	simm.s32 $0x200;
	v1 =	vadd.f32 v1, v15;
	v15 =	vand.u32 $0x7FFFFFFF, v12;
	v12 =	vld [tilespmem:s28+$0xC030];
	v2 =	vadd.f32 v2, v17  }
.LBB2_8:
0xc5: {  	p0 =	sne.s32 s29, $0xFF00;
	v17 =	vld [tilespmem:s28+$0x10030];
	v16 =	vand.u32 $0x7FFFFFFF, v16;
	v9 =	vsub.f32 v9, v10  }
0xc6: {  	v18 =	vld [tilespmem:s28+$0xC000];
	vm0 =	vgt.f32 v11, $0.0e+00  }
0xc7: {  	v11 =	vld [tilespmem:s28+$0x14030];
	v10 =	vnsel vm0, $0x0, v15;
	vm1 =	vgt.f32 v13, $0.0e+00;
	v9 =	vand.u32 $0x7FFFFFFF, v9  }
0xc8: {  	v15 =	vsel vm0, $0x3F800000, v0;
	v13 =	vld [tilespmem:s28+$0x10000];
	v16 =	vnsel vm1, $0x0, v16;
	vm0 =	vgt.f32 v14, $0.0e+00  }
0xc9: {  	v19 =	vsel vm1, $0x3F800000, v0;
	v14 =	vld [tilespmem:s28+$0xC010];
	v20 =	vnsel vm0, $0x0, v9;
	v21 =	vsel vm0, $0x3F800000, v0  }
0xca: {  	v5 =	vadd.f32 v10, v5;
	v22 =	vld [tilespmem:s28+$0x10010];
	v12 =	vsub.f32 v12, v17  }
0xcb: {  	v8 =	vadd.f32 v16, v8;
	v7 =	vadd.f32 v20, v7;
	v9 =	vld [tilespmem:s28+$0xC020]  }
.Ltmp3:
0xcc: {  	v3 =	vadd.f32 v15, v3;
	v10 =	vld [tilespmem:s28+$0x10020];
	vm0 =	vgt.f32 v11, $0.0e+00;
	v12 =	vand.u32 $0x7FFFFFFF, v12;
	(pc) =	sbr.rel @p0 .LBB2_8-.Ltmp3, $4  }
0xcd: {  	v11 =	vld [tilespmem:s28+$0x14000];
	v15 =	vsub.f32 v18, v13;
	v12 =	vnsel vm0, $0x0, v12;
	v17 =	vsel vm0, $0x3F800000, v0  }
0xce: {  	v4 =	vadd.f32 v19, v4;
	v13 =	vld [tilespmem:s28+$0x14010];
	v1 =	vadd.f32 v12, v1  }
0xcf: {  	v6 =	vadd.f32 v21, v6;
	v15 =	vand.u32 $0x7FFFFFFF, v15;
	v16 =	vsub.f32 v14, v22;
	v14 =	vld [tilespmem:s28+$0x14020];
	s28 =	sshra.s32 s29, $0x2  }
0xd0: {  	v2 =	vadd.f32 v17, v2;
	s29 =	sadd.s32 $0x100, s29;
	v12 =	vld [tilespmem:s28+$0xC030]  }
0xd1: {  	v17 =	vld [tilespmem:s28+$0x10030]  }
0xd2: {  	v18 =	vld [tilespmem:s28+$0xC000]  }
0xd3: {  	v19 =	vld [tilespmem:s28+$0x14030]  }
0xd4: {  	v20 =	vld [tilespmem:s28+$0x10000]  }
0xd5: {  	v48 =	vld [tilespmem:s28+$0xC010]  }
0xd6: {  	v49 =	vld [tilespmem:s28+$0x10010]  }
0xd7: {  	v9 =	vsub.f32 v9, v10;
	v50 =	vld [tilespmem:s28+$0xC020]  }
0xd8: {  	v16 =	vand.u32 $0x7FFFFFFF, v16;
	v51 =	vld [tilespmem:s28+$0x10020];
	vm0 =	vgt.f32 v11, $0.0e+00  }
0xd9: {  	v52 =	vld [tilespmem:s28+$0x14000];
	v15 =	vnsel vm0, $0x0, v15;
	vm1 =	vgt.f32 v13, $0.0e+00;
	v9 =	vand.u32 $0x7FFFFFFF, v9  }
0xda: {  	v54 =	vld [tilespmem:s28+$0x14010];
	v21 =	vsel vm0, $0x3F800000, v0;
	vm11 =	vgt.f32 v14, $0.0e+00;
	v16 =	vnsel vm1, $0x0, v16  }
0xdb: {  	v56 =	vld [tilespmem:s28+$0x14020];
	v5 =	vadd.f32 v15, v5;
	v53 =	vsel vm1, $0x3F800000, v0;
	v3 =	vadd.f32 v21, v3  }
0xdc: {  	v9 =	vnsel vm11, $0x0, v9;
	v8 =	vadd.f32 v16, v8;
	v4 =	vadd.f32 v53, v4  }
0xdd: {  	v55 =	vsel vm11, $0x3F800000, v0;
	v12 =	vsub.f32 v12, v17;
	v7 =	vadd.f32 v9, v7  }
0xde: {  	vm12 =	vgt.f32 v19, $0.0e+00;
	v18 =	vsub.f32 v18, v20;
	v10 =	vsub.f32 v48, v49  }
0xdf: {  	v6 =	vadd.f32 v55, v6;
	v13 =	vsub.f32 v50, v51;
	vm13 =	vgt.f32 v52, $0.0e+00  }
0xe0: {  	vm14 =	vgt.f32 v54, $0.0e+00;
	vm15 =	vgt.f32 v56, $0.0e+00;
	v15 =	vsel vm13, $0x3F800000, v0  }
0xe1: {  	v60 =	vsel vm14, $0x3F800000, v0;
	v61 =	vsel vm15, $0x3F800000, v0;
	v63 =	vsel vm12, $0x3F800000, v0  }
0xe2: {  	v57 =	vand.u32 $0x7FFFFFFF, v18;
	v10 =	vand.u32 $0x7FFFFFFF, v10;
	v3 =	vadd.f32 v15, v3  }
0xe3: {  	v4 =	vadd.f32 v60, v4;
	v58 =	vnsel vm13, $0x0, v57;
	v10 =	vnsel vm14, $0x0, v10  }
0xe4: {  	v59 =	vand.u32 $0x7FFFFFFF, v13;
	v5 =	vadd.f32 v58, v5;
	v8 =	vadd.f32 v10, v8  }
0xe5: {  	v6 =	vadd.f32 v61, v6;
	v9 =	vnsel vm15, $0x0, v59;
	v3 =	vadd.f32 v4, v3  }
0xe6: {  	v12 =	vand.u32 $0x7FFFFFFF, v12;
	v7 =	vadd.f32 v9, v7;
	v5 =	vadd.f32 v8, v5  }
0xe7: {  	v2 =	vadd.f32 v63, v2;
	v62 =	vnsel vm12, $0x0, v12;
	v3 =	vadd.f32 v6, v3  }
0xe8: {  	v1 =	vadd.f32 v62, v1;
	v5 =	vadd.f32 v7, v5  }
0xe9: {  	v2 =	vadd.f32 v2, v3  }
0xea: {  	s26 =	sadd.s32 $0x1, s26;
	v1 =	vadd.f32 v1, v5  }
0xeb: {  	p0 =	sne.s32 s26, s16;
	[tilespmem:$0x18010] =	vst v2  }
.Ltmp4:
0xec: {  	[tilespmem:$0x18000] =	vst v1;
	(pc) =	sbr.rel @p0 .LBB2_1-.Ltmp4, $4  }
0xed: {  	[hbm4b:s15+s2] =	stream.linear.scatter [tilespmem:s24], [sflag:$0x3], $0x80, $0x38;
	[tilespmem:$0x18080] =	vst v63  }
0xee: {  	_ =	swait.ge [sflag:s25], $0x80  }
0xef: {  	[sflag:s25] =	ssyncset.done $0x0  }
0xf0: {  	[sflag:s25] =	ssyncadd.s32 $0xFFFFFF80  }
0xf1: {  	_ =	sfence.sel $0x180000  }
0xf2: {  	[bflag:$0x0] =	sbarrier.arrive $0xFFFF  }
0xf3: {  	p0 =	sne.s32 s1, $0x0;
	_ =	strace $0x90000047  }
0xf4: {  	s0 =	sadd.s32 @!p0 $0x100000, s0;
	[bflag:$0x2] =	sbarrier.arrive $0xFFFF  }
0xf5: {  	[sflag:s0] =	ssyncadd.tile.s32 @!p0 $0x1;
	_ =	shalt  }
.Lfunc_end2:
_tile_overlayer_lowered:
.L_overlay_start_2:
0xf6: {  	(tag) =	ssettag $0x2  }
0xf7: {  	s0 =	rddreg [dreg:$0x0];
	s2 =	stileid.u32  }
0xf8: {  	s1 =	rddreg [dreg:$0x1];
	p0 =	sne.s32 s2, $0x0  }
0xf9: {  	s3 =	rddreg [dreg:$0x2];
	[bflag:$0x3] =	sbarrier.arrive $0xFFFF;
	s2 =	simm.s32 @!p0 $0x1C03  }
0xfa: {  	[timem:s3], [sflag:s2] =	dma.local @!p0 [hbm:s0], s1  }
0xfb: {  	s0 =	simm.s32 @!p0 $0x3  }
0xfc: {  	_ =	swait.ge @!p0 [sflag:s0], s1  }
0xfd: {  	s1 =	ssub.s32 @!p0 $0x0, s1;
	[sflag:s0] =	ssyncset.done @!p0 $0x0  }
0xfe: {  	[sflag:s0] =	ssyncadd.s32 @!p0 s1  }
0xff: {  	[bflag:$0x3] =	sbarrier.arrive $0xFFFF  }
0x100: {  	_ =	shalt  }

</sc_bundles>
